<compile_context>
chip_gen: v7x
topology: tpu7x:2x2x1
jax: 0.10.2.dev20260603
libtpu: 0.0.44.dev20260713+nightly
codegen_flags: <defaults>
</compile_context>

<pallas_src>
import functools

import jax
import jax.numpy as jnp
from jax import lax
from jax.experimental import pallas as pl
from jax.experimental.pallas import tpu as pltpu
from jax.experimental.pallas import tpu_sc as plsc

BATCH = 16384
HIST = 50
EMBED_DIM = 64
NUM_IDX = BATCH * HIST

NC, NS = 2, 16
NW = NC * NS
B_PER_W = NUM_IDX // NW
CHUNK = 320
NSTEPS = B_PER_W // CHUNK
NBUF = 4


@jax.jit
def _sc_gather(x_flat, table):
    mesh = plsc.VectorSubcoreMesh(
        core_axis_name="c", subcore_axis_name="s", num_cores=NC, num_subcores=NS
    )

    @functools.partial(
        pl.kernel,
        out_type=jax.ShapeDtypeStruct((NUM_IDX, EMBED_DIM), jnp.float32),
        mesh=mesh,
        scratch_types=[
            pltpu.VMEM((B_PER_W,), jnp.int32),
            pltpu.VMEM((NBUF, CHUNK, EMBED_DIM), jnp.float32),
        ]
        + [pltpu.SemaphoreType.DMA] * (2 * NBUF),
        compiler_params=pltpu.CompilerParams(use_tc_tiling_on_sc=False),
    )
    def k(idx_hbm, table_hbm, out_hbm, idx_v, rows_v, *sems):
        gsem, osem = sems[:NBUF], sems[NBUF:]
        wid = lax.axis_index("s") * NC + lax.axis_index("c")
        base = wid * B_PER_W
        pltpu.sync_copy(idx_hbm.at[pl.ds(base, B_PER_W)], idx_v)

        def g_start(j, b):
            pltpu.async_copy(
                table_hbm.at[idx_v.at[pl.ds(j * CHUNK, CHUNK)]],
                rows_v.at[b],
                gsem[b],
            )

        def g_wait(b):
            pltpu.make_async_copy(
                table_hbm.at[pl.ds(0, CHUNK)], rows_v.at[b], gsem[b]
            ).wait()

        def o_start(j, b):
            pltpu.async_copy(
                rows_v.at[b], out_hbm.at[pl.ds(base + j * CHUNK, CHUNK)], osem[b]
            )

        def o_wait(b):
            pltpu.make_async_copy(
                rows_v.at[b], out_hbm.at[pl.ds(base, CHUNK)], osem[b]
            ).wait()

        for b in range(NBUF - 1):
            g_start(b, b)

        @pl.loop(0, NSTEPS, step=NBUF)
        def _(i):
            for b in range(NBUF):
                j = i + b
                jg = j + (NBUF - 1)
                bg = (b + NBUF - 1) % NBUF

                @pl.when(jg < NSTEPS)
                def _():
                    @pl.when(jg >= NBUF)
                    def _():
                        o_wait(bg)

                    g_start(jg, bg)

                g_wait(b)
                o_start(j, b)

        for b in range(NBUF):
            o_wait(b)

    return k(x_flat, table)


def kernel(x, table):
    out = _sc_gather(x.reshape(-1), table)
    return out.reshape(BATCH, HIST, EMBED_DIM)

# --- scband reference (transcript-rebuilt; emitter-appended) ---
"""Pipeline reference for scband-multi-embedding-89773406421347 (READ-ONLY COPY).

The authoritative reference and input builder live on the scoring server;
editing this copy changes nothing except your own understanding.
"""

import jax, jax.numpy as jnp
import numpy as np

VOCAB = 1000000
EMBED_DIM = 64
BATCH = 16384
HIST = 50

def setup_inputs(seed: int = 0) -> dict:
    key = jax.random.key(seed)
    k1, k2 = jax.random.split(key)
    x = jax.random.randint(k1, (BATCH, HIST), 0, VOCAB, dtype=jnp.int64 if jax.config.jax_enable_x64 else jnp.int32)
    table = jax.random.normal(k2, (VOCAB, EMBED_DIM), dtype=jnp.float32) * 0.02
    return {"x": x, "table": table}

def reference(x, table):
    # MultiEmbedding forward with a single (non-list) input tensor:
    #   return self.embeddings[0](x) * self.s_factor, with s_factor = 1 (scaled=False)
    s_factor = 1.0
    out = jnp.take(table, x, axis=0) * s_factor
    return out

if __name__ == "__main__":
    import jax
    _d = setup_inputs()
    print(jax.jit(kernel)(*tuple(_d.values())))

</pallas_src>

<mosaic_0001>
#map = affine_map<(d0, d1) -> (0)>
#map1 = affine_map<(d0, d1) -> (0, 0)>
module attributes {stable_mosaic.version = 14 : i64} {
  func.func @k(%arg0: i32, %arg1: i32, %arg2: memref<819200xi32, #tpu.memory_space<hbm>>, %arg3: memref<1000000x64xf32, #tpu.memory_space<hbm>>, %arg4: memref<819200x64xf32, #tpu.memory_space<hbm>>, %arg5: memref<25600xi32, #tpu.memory_space<vmem>>, %arg6: memref<4x320x64xf32, #tpu.memory_space<vmem>>, %arg7: memref<!tpu.dma_semaphore, #tpu.memory_space<semaphore_mem>>, %arg8: memref<!tpu.dma_semaphore, #tpu.memory_space<semaphore_mem>>, %arg9: memref<!tpu.dma_semaphore, #tpu.memory_space<semaphore_mem>>, %arg10: memref<!tpu.dma_semaphore, #tpu.memory_space<semaphore_mem>>, %arg11: memref<!tpu.dma_semaphore, #tpu.memory_space<semaphore_mem>>, %arg12: memref<!tpu.dma_semaphore, #tpu.memory_space<semaphore_mem>>, %arg13: memref<!tpu.dma_semaphore, #tpu.memory_space<semaphore_mem>>, %arg14: memref<!tpu.dma_semaphore, #tpu.memory_space<semaphore_mem>>) attributes {dimension_semantics = [#tpu.dimension_semantics<core_parallel>, #tpu.dimension_semantics<subcore_parallel>], iteration_bounds = array<i64: 2, 16>, scalar_prefetch = 0 : i64, scratch_operands = 10 : i64, tpu.core_type = #tpu.core_type<sc_vector_subcore>, window_params = [{transform_indices = #map}, {transform_indices = #map1}, {transform_indices = #map1}]} {
    %mul3A = arith.constant 2 : i32
    %mul3A_0 = arith.muli %arg1, %mul3A : i32
    %add3A = arith.addi %mul3A_0, %arg0 : i32
    %mul3A_1 = arith.constant 25600 : i32
    %mul3A_2 = arith.muli %add3A, %mul3A_1 : i32
    "tpu.region"() ({
      %run_scoped3A = tpu.sem_alloc : memref<!tpu.dma_semaphore, #tpu.memory_space<semaphore_mem>>
      %dma_start3A_87 = tpu.memref_slice %arg2[%mul3A_2] : memref<819200xi32, #tpu.memory_space<hbm>> -> memref<25600xi32, #tpu.memory_space<hbm>>
      %dma_start3A_88 = tpu.memref_slice %arg2[%mul3A_2] : memref<819200xi32, #tpu.memory_space<hbm>> -> memref<25600xi32, #tpu.memory_space<hbm>>
      tpu.enqueue_dma source(%dma_start3A_88 : memref<25600xi32, #tpu.memory_space<hbm>>) target(%arg5 : memref<25600xi32, #tpu.memory_space<vmem>>) target_semaphore(%run_scoped3A : memref<!tpu.dma_semaphore, #tpu.memory_space<semaphore_mem>>)
      %dma_wait3A_89 = tpu.memref_slice %arg2[%mul3A_2] : memref<819200xi32, #tpu.memory_space<hbm>> -> memref<25600xi32, #tpu.memory_space<hbm>>
      %dma_wait3A_90 = tpu.memref_slice %arg2[%mul3A_2] : memref<819200xi32, #tpu.memory_space<hbm>> -> memref<25600xi32, #tpu.memory_space<hbm>>
      tpu.wait_dma2 semaphore(%run_scoped3A : memref<!tpu.dma_semaphore, #tpu.memory_space<semaphore_mem>>) src(%dma_wait3A_90 : memref<25600xi32, #tpu.memory_space<hbm>>) dst(%arg5 : memref<25600xi32, #tpu.memory_space<vmem>>)
      tpu.yield
    }) : () -> ()
    %dma_start3A = arith.constant 0 : i32
    %dma_start3A_3 = arith.constant 0 : i32
    %dma_start3A_4 = arith.constant 0 : i32
    %dma_start3A_5 = tpu.memref_slice %arg6[%dma_start3A, %dma_start3A_3, %dma_start3A_4] : memref<4x320x64xf32, #tpu.memory_space<vmem>> -> memref<1x320x64xf32, #tpu.memory_space<vmem>>
    %dma_start3A_6 = tpu.memref_squeeze %dma_start3A_5 : memref<1x320x64xf32, #tpu.memory_space<vmem>> -> memref<320x64xf32, #tpu.memory_space<vmem>>
    %dma_start3A_7 = arith.constant 0 : i32
    %dma_start3A_8 = tpu.memref_slice %arg5[%dma_start3A_7] : memref<25600xi32, #tpu.memory_space<vmem>> -> memref<320xi32, #tpu.memory_space<vmem>>
    %dma_start3A_9 = arith.constant 0 : i32
    %dma_start3A_10 = arith.constant 0 : i32
    %dma_start3A_11 = tpu.memref_slice %arg3[%dma_start3A_9, %dma_start3A_10] : memref<1000000x64xf32, #tpu.memory_space<hbm>> -> memref<1000000x64xf32, #tpu.memory_space<hbm>>
    tpu.enqueue_indirect_dma source(%dma_start3A_11 : memref<1000000x64xf32, #tpu.memory_space<hbm>>) target(%dma_start3A_6 : memref<320x64xf32, #tpu.memory_space<vmem>>) offsets(%dma_start3A_8 : memref<320xi32, #tpu.memory_space<vmem>>) semaphore(%arg7 : memref<!tpu.dma_semaphore, #tpu.memory_space<semaphore_mem>>)
    %dma_start3A_12 = arith.constant 1 : i32
    %dma_start3A_13 = arith.constant 0 : i32
    %dma_start3A_14 = arith.constant 0 : i32
    %dma_start3A_15 = tpu.memref_slice %arg6[%dma_start3A_12, %dma_start3A_13, %dma_start3A_14] : memref<4x320x64xf32, #tpu.memory_space<vmem>> -> memref<1x320x64xf32, #tpu.memory_space<vmem>>
    %dma_start3A_16 = tpu.memref_squeeze %dma_start3A_15 : memref<1x320x64xf32, #tpu.memory_space<vmem>> -> memref<320x64xf32, #tpu.memory_space<vmem>>
    %dma_start3A_17 = arith.constant 320 : i32
    %dma_start3A_18 = tpu.memref_slice %arg5[%dma_start3A_17] : memref<25600xi32, #tpu.memory_space<vmem>> -> memref<320xi32, #tpu.memory_space<vmem>>
    %dma_start3A_19 = arith.constant 0 : i32
    %dma_start3A_20 = arith.constant 0 : i32
    %dma_start3A_21 = tpu.memref_slice %arg3[%dma_start3A_19, %dma_start3A_20] : memref<1000000x64xf32, #tpu.memory_space<hbm>> -> memref<1000000x64xf32, #tpu.memory_space<hbm>>
    tpu.enqueue_indirect_dma source(%dma_start3A_21 : memref<1000000x64xf32, #tpu.memory_space<hbm>>) target(%dma_start3A_16 : memref<320x64xf32, #tpu.memory_space<vmem>>) offsets(%dma_start3A_18 : memref<320xi32, #tpu.memory_space<vmem>>) semaphore(%arg8 : memref<!tpu.dma_semaphore, #tpu.memory_space<semaphore_mem>>)
    %dma_start3A_22 = arith.constant 2 : i32
    %dma_start3A_23 = arith.constant 0 : i32
    %dma_start3A_24 = arith.constant 0 : i32
    %dma_start3A_25 = tpu.memref_slice %arg6[%dma_start3A_22, %dma_start3A_23, %dma_start3A_24] : memref<4x320x64xf32, #tpu.memory_space<vmem>> -> memref<1x320x64xf32, #tpu.memory_space<vmem>>
    %dma_start3A_26 = tpu.memref_squeeze %dma_start3A_25 : memref<1x320x64xf32, #tpu.memory_space<vmem>> -> memref<320x64xf32, #tpu.memory_space<vmem>>
    %dma_start3A_27 = arith.constant 640 : i32
    %dma_start3A_28 = tpu.memref_slice %arg5[%dma_start3A_27] : memref<25600xi32, #tpu.memory_space<vmem>> -> memref<320xi32, #tpu.memory_space<vmem>>
    %dma_start3A_29 = arith.constant 0 : i32
    %dma_start3A_30 = arith.constant 0 : i32
    %dma_start3A_31 = tpu.memref_slice %arg3[%dma_start3A_29, %dma_start3A_30] : memref<1000000x64xf32, #tpu.memory_space<hbm>> -> memref<1000000x64xf32, #tpu.memory_space<hbm>>
    tpu.enqueue_indirect_dma source(%dma_start3A_31 : memref<1000000x64xf32, #tpu.memory_space<hbm>>) target(%dma_start3A_26 : memref<320x64xf32, #tpu.memory_space<vmem>>) offsets(%dma_start3A_28 : memref<320xi32, #tpu.memory_space<vmem>>) semaphore(%arg9 : memref<!tpu.dma_semaphore, #tpu.memory_space<semaphore_mem>>)
    %scan3A = arith.constant 0 : i32
    %scan3A_32 = arith.constant 20 : i32
    %scan3A_33 = arith.addi %scan3A, %scan3A_32 : i32
    %scan3A_34 = arith.constant 1 : i32
    scf.for %scan3A_87 = %scan3A to %scan3A_33 step %scan3A_34  : i32 {
      %mul3A_88 = arith.constant 4 : i32
      %mul3A_89 = arith.muli %scan3A_87, %mul3A_88 : i32
      %add3A_90 = arith.constant 0 : i32
      %add3A_91 = arith.addi %add3A_90, %mul3A_89 : i32
      %add3A_92 = arith.constant 0 : i32
      %add3A_93 = arith.addi %add3A_91, %add3A_92 : i32
      %add3A_94 = arith.constant 3 : i32
      %add3A_95 = arith.addi %add3A_93, %add3A_94 : i32
      %lt3A = arith.constant 80 : i32
      %lt3A_96 = arith.cmpi slt, %add3A_95, %lt3A : i32
      %convert_element_type3A = arith.extui %lt3A_96 : i1 to i32
      %cond3A = arith.constant 0 : i32
      %cond3A_97 = arith.cmpi ne, %convert_element_type3A, %cond3A : i32
      scf.if %cond3A_97 {
        %ge3A = arith.constant 4 : i32
        %ge3A_249 = arith.cmpi sge, %add3A_95, %ge3A : i32
        %convert_element_type3A_250 = arith.extui %ge3A_249 : i1 to i32
        %cond3A_251 = arith.constant 0 : i32
        %cond3A_252 = arith.cmpi ne, %convert_element_type3A_250, %cond3A_251 : i32
        scf.if %cond3A_252 {
          %dma_wait3A_264 = arith.constant 3 : i32
          %dma_wait3A_265 = arith.constant 0 : i32
          %dma_wait3A_266 = arith.constant 0 : i32
          %dma_wait3A_267 = tpu.memref_slice %arg6[%dma_wait3A_264, %dma_wait3A_265, %dma_wait3A_266] : memref<4x320x64xf32, #tpu.memory_space<vmem>> -> memref<1x320x64xf32, #tpu.memory_space<vmem>>
          %dma_wait3A_268 = tpu.memref_squeeze %dma_wait3A_267 : memref<1x320x64xf32, #tpu.memory_space<vmem>> -> memref<320x64xf32, #tpu.memory_space<vmem>>
          %dma_wait3A_269 = arith.constant 0 : i32
          %dma_wait3A_270 = tpu.memref_slice %arg4[%mul3A_2, %dma_wait3A_269] : memref<819200x64xf32, #tpu.memory_space<hbm>> -> memref<320x64xf32, #tpu.memory_space<hbm>>
          %dma_wait3A_271 = arith.constant 0 : i32
          %dma_wait3A_272 = tpu.memref_slice %arg4[%mul3A_2, %dma_wait3A_271] : memref<819200x64xf32, #tpu.memory_space<hbm>> -> memref<320x64xf32, #tpu.memory_space<hbm>>
          %dma_wait3A_273 = arith.constant 0 : i32
          %dma_wait3A_274 = arith.constant 0 : i32
          %dma_wait3A_275 = tpu.memref_slice %arg6[%dma_wait3A_264, %dma_wait3A_273, %dma_wait3A_274] : memref<4x320x64xf32, #tpu.memory_space<vmem>> -> memref<1x320x64xf32, #tpu.memory_space<vmem>>
          %dma_wait3A_276 = tpu.memref_squeeze %dma_wait3A_275 : memref<1x320x64xf32, #tpu.memory_space<vmem>> -> memref<320x64xf32, #tpu.memory_space<vmem>>
          tpu.wait_dma2 semaphore(%arg14 : memref<!tpu.dma_semaphore, #tpu.memory_space<semaphore_mem>>) src(%dma_wait3A_276 : memref<320x64xf32, #tpu.memory_space<vmem>>) dst(%dma_wait3A_272 : memref<320x64xf32, #tpu.memory_space<hbm>>)
        } else {
        }
        %mul3A_253 = arith.constant 320 : i32
        %mul3A_254 = arith.muli %add3A_95, %mul3A_253 : i32
        %dma_start3A_255 = arith.constant 3 : i32
        %dma_start3A_256 = arith.constant 0 : i32
        %dma_start3A_257 = arith.constant 0 : i32
        %dma_start3A_258 = tpu.memref_slice %arg6[%dma_start3A_255, %dma_start3A_256, %dma_start3A_257] : memref<4x320x64xf32, #tpu.memory_space<vmem>> -> memref<1x320x64xf32, #tpu.memory_space<vmem>>
        %dma_start3A_259 = tpu.memref_squeeze %dma_start3A_258 : memref<1x320x64xf32, #tpu.memory_space<vmem>> -> memref<320x64xf32, #tpu.memory_space<vmem>>
        %dma_start3A_260 = tpu.memref_slice %arg5[%mul3A_254] : memref<25600xi32, #tpu.memory_space<vmem>> -> memref<320xi32, #tpu.memory_space<vmem>>
        %dma_start3A_261 = arith.constant 0 : i32
        %dma_start3A_262 = arith.constant 0 : i32
        %dma_start3A_263 = tpu.memref_slice %arg3[%dma_start3A_261, %dma_start3A_262] : memref<1000000x64xf32, #tpu.memory_space<hbm>> -> memref<1000000x64xf32, #tpu.memory_space<hbm>>
        tpu.enqueue_indirect_dma source(%dma_start3A_263 : memref<1000000x64xf32, #tpu.memory_space<hbm>>) target(%dma_start3A_259 : memref<320x64xf32, #tpu.memory_space<vmem>>) offsets(%dma_start3A_260 : memref<320xi32, #tpu.memory_space<vmem>>) semaphore(%arg10 : memref<!tpu.dma_semaphore, #tpu.memory_space<semaphore_mem>>)
      } else {
      }
      %dma_wait3A_98 = arith.constant 0 : i32
      %dma_wait3A_99 = arith.constant 0 : i32
      %dma_wait3A_100 = arith.constant 0 : i32
      %dma_wait3A_101 = tpu.memref_slice %arg6[%dma_wait3A_98, %dma_wait3A_99, %dma_wait3A_100] : memref<4x320x64xf32, #tpu.memory_space<vmem>> -> memref<1x320x64xf32, #tpu.memory_space<vmem>>
      %dma_wait3A_102 = tpu.memref_squeeze %dma_wait3A_101 : memref<1x320x64xf32, #tpu.memory_space<vmem>> -> memref<320x64xf32, #tpu.memory_space<vmem>>
      %dma_wait3A_103 = arith.constant 0 : i32
      %dma_wait3A_104 = arith.constant 0 : i32
      %dma_wait3A_105 = tpu.memref_slice %arg3[%dma_wait3A_103, %dma_wait3A_104] : memref<1000000x64xf32, #tpu.memory_space<hbm>> -> memref<320x64xf32, #tpu.memory_space<hbm>>
      %dma_wait3A_106 = arith.constant 0 : i32
      %dma_wait3A_107 = arith.constant 0 : i32
      %dma_wait3A_108 = tpu.memref_slice %arg6[%dma_wait3A_98, %dma_wait3A_106, %dma_wait3A_107] : memref<4x320x64xf32, #tpu.memory_space<vmem>> -> memref<1x320x64xf32, #tpu.memory_space<vmem>>
      %dma_wait3A_109 = tpu.memref_squeeze %dma_wait3A_108 : memref<1x320x64xf32, #tpu.memory_space<vmem>> -> memref<320x64xf32, #tpu.memory_space<vmem>>
      %dma_wait3A_110 = arith.constant 0 : i32
      %dma_wait3A_111 = arith.constant 0 : i32
      %dma_wait3A_112 = tpu.memref_slice %arg3[%dma_wait3A_110, %dma_wait3A_111] : memref<1000000x64xf32, #tpu.memory_space<hbm>> -> memref<320x64xf32, #tpu.memory_space<hbm>>
      tpu.wait_dma2 semaphore(%arg7 : memref<!tpu.dma_semaphore, #tpu.memory_space<semaphore_mem>>) src(%dma_wait3A_112 : memref<320x64xf32, #tpu.memory_space<hbm>>) dst(%dma_wait3A_109 : memref<320x64xf32, #tpu.memory_space<vmem>>)
      %mul3A_113 = arith.constant 320 : i32
      %mul3A_114 = arith.muli %add3A_93, %mul3A_113 : i32
      %add3A_115 = arith.addi %mul3A_2, %mul3A_114 : i32
      %dma_start3A_116 = arith.constant 0 : i32
      %dma_start3A_117 = arith.constant 0 : i32
      %dma_start3A_118 = arith.constant 0 : i32
      %dma_start3A_119 = tpu.memref_slice %arg6[%dma_start3A_116, %dma_start3A_117, %dma_start3A_118] : memref<4x320x64xf32, #tpu.memory_space<vmem>> -> memref<1x320x64xf32, #tpu.memory_space<vmem>>
      %dma_start3A_120 = tpu.memref_squeeze %dma_start3A_119 : memref<1x320x64xf32, #tpu.memory_space<vmem>> -> memref<320x64xf32, #tpu.memory_space<vmem>>
      %dma_start3A_121 = arith.constant 0 : i32
      %dma_start3A_122 = tpu.memref_slice %arg4[%add3A_115, %dma_start3A_121] : memref<819200x64xf32, #tpu.memory_space<hbm>> -> memref<320x64xf32, #tpu.memory_space<hbm>>
      %dma_start3A_123 = arith.constant 0 : i32
      %dma_start3A_124 = tpu.memref_slice %arg4[%add3A_115, %dma_start3A_123] : memref<819200x64xf32, #tpu.memory_space<hbm>> -> memref<320x64xf32, #tpu.memory_space<hbm>>
      %dma_start3A_125 = arith.constant 0 : i32
      %dma_start3A_126 = arith.constant 0 : i32
      %dma_start3A_127 = tpu.memref_slice %arg6[%dma_start3A_116, %dma_start3A_125, %dma_start3A_126] : memref<4x320x64xf32, #tpu.memory_space<vmem>> -> memref<1x320x64xf32, #tpu.memory_space<vmem>>
      %dma_start3A_128 = tpu.memref_squeeze %dma_start3A_127 : memref<1x320x64xf32, #tpu.memory_space<vmem>> -> memref<320x64xf32, #tpu.memory_space<vmem>>
      tpu.enqueue_dma source(%dma_start3A_128 : memref<320x64xf32, #tpu.memory_space<vmem>>) target(%dma_start3A_124 : memref<320x64xf32, #tpu.memory_space<hbm>>) target_semaphore(%arg11 : memref<!tpu.dma_semaphore, #tpu.memory_space<semaphore_mem>>)
      %add3A_129 = arith.constant 1 : i32
      %add3A_130 = arith.addi %add3A_91, %add3A_129 : i32
      %add3A_131 = arith.constant 3 : i32
      %add3A_132 = arith.addi %add3A_130, %add3A_131 : i32
      %lt3A_133 = arith.constant 80 : i32
      %lt3A_134 = arith.cmpi slt, %add3A_132, %lt3A_133 : i32
      %convert_element_type3A_135 = arith.extui %lt3A_134 : i1 to i32
      %cond3A_136 = arith.constant 0 : i32
      %cond3A_137 = arith.cmpi ne, %convert_element_type3A_135, %cond3A_136 : i32
      scf.if %cond3A_137 {
        %ge3A = arith.constant 4 : i32
        %ge3A_249 = arith.cmpi sge, %add3A_132, %ge3A : i32
        %convert_element_type3A_250 = arith.extui %ge3A_249 : i1 to i32
        %cond3A_251 = arith.constant 0 : i32
        %cond3A_252 = arith.cmpi ne, %convert_element_type3A_250, %cond3A_251 : i32
        scf.if %cond3A_252 {
          %dma_wait3A_264 = arith.constant 0 : i32
          %dma_wait3A_265 = arith.constant 0 : i32
          %dma_wait3A_266 = arith.constant 0 : i32
          %dma_wait3A_267 = tpu.memref_slice %arg6[%dma_wait3A_264, %dma_wait3A_265, %dma_wait3A_266] : memref<4x320x64xf32, #tpu.memory_space<vmem>> -> memref<1x320x64xf32, #tpu.memory_space<vmem>>
          %dma_wait3A_268 = tpu.memref_squeeze %dma_wait3A_267 : memref<1x320x64xf32, #tpu.memory_space<vmem>> -> memref<320x64xf32, #tpu.memory_space<vmem>>
          %dma_wait3A_269 = arith.constant 0 : i32
          %dma_wait3A_270 = tpu.memref_slice %arg4[%mul3A_2, %dma_wait3A_269] : memref<819200x64xf32, #tpu.memory_space<hbm>> -> memref<320x64xf32, #tpu.memory_space<hbm>>
          %dma_wait3A_271 = arith.constant 0 : i32
          %dma_wait3A_272 = tpu.memref_slice %arg4[%mul3A_2, %dma_wait3A_271] : memref<819200x64xf32, #tpu.memory_space<hbm>> -> memref<320x64xf32, #tpu.memory_space<hbm>>
          %dma_wait3A_273 = arith.constant 0 : i32
          %dma_wait3A_274 = arith.constant 0 : i32
          %dma_wait3A_275 = tpu.memref_slice %arg6[%dma_wait3A_264, %dma_wait3A_273, %dma_wait3A_274] : memref<4x320x64xf32, #tpu.memory_space<vmem>> -> memref<1x320x64xf32, #tpu.memory_space<vmem>>
          %dma_wait3A_276 = tpu.memref_squeeze %dma_wait3A_275 : memref<1x320x64xf32, #tpu.memory_space<vmem>> -> memref<320x64xf32, #tpu.memory_space<vmem>>
          tpu.wait_dma2 semaphore(%arg11 : memref<!tpu.dma_semaphore, #tpu.memory_space<semaphore_mem>>) src(%dma_wait3A_276 : memref<320x64xf32, #tpu.memory_space<vmem>>) dst(%dma_wait3A_272 : memref<320x64xf32, #tpu.memory_space<hbm>>)
        } else {
        }
        %mul3A_253 = arith.constant 320 : i32
        %mul3A_254 = arith.muli %add3A_132, %mul3A_253 : i32
        %dma_start3A_255 = arith.constant 0 : i32
        %dma_start3A_256 = arith.constant 0 : i32
        %dma_start3A_257 = arith.constant 0 : i32
        %dma_start3A_258 = tpu.memref_slice %arg6[%dma_start3A_255, %dma_start3A_256, %dma_start3A_257] : memref<4x320x64xf32, #tpu.memory_space<vmem>> -> memref<1x320x64xf32, #tpu.memory_space<vmem>>
        %dma_start3A_259 = tpu.memref_squeeze %dma_start3A_258 : memref<1x320x64xf32, #tpu.memory_space<vmem>> -> memref<320x64xf32, #tpu.memory_space<vmem>>
        %dma_start3A_260 = tpu.memref_slice %arg5[%mul3A_254] : memref<25600xi32, #tpu.memory_space<vmem>> -> memref<320xi32, #tpu.memory_space<vmem>>
        %dma_start3A_261 = arith.constant 0 : i32
        %dma_start3A_262 = arith.constant 0 : i32
        %dma_start3A_263 = tpu.memref_slice %arg3[%dma_start3A_261, %dma_start3A_262] : memref<1000000x64xf32, #tpu.memory_space<hbm>> -> memref<1000000x64xf32, #tpu.memory_space<hbm>>
        tpu.enqueue_indirect_dma source(%dma_start3A_263 : memref<1000000x64xf32, #tpu.memory_space<hbm>>) target(%dma_start3A_259 : memref<320x64xf32, #tpu.memory_space<vmem>>) offsets(%dma_start3A_260 : memref<320xi32, #tpu.memory_space<vmem>>) semaphore(%arg7 : memref<!tpu.dma_semaphore, #tpu.memory_space<semaphore_mem>>)
      } else {
      }
      %dma_wait3A_138 = arith.constant 1 : i32
      %dma_wait3A_139 = arith.constant 0 : i32
      %dma_wait3A_140 = arith.constant 0 : i32
      %dma_wait3A_141 = tpu.memref_slice %arg6[%dma_wait3A_138, %dma_wait3A_139, %dma_wait3A_140] : memref<4x320x64xf32, #tpu.memory_space<vmem>> -> memref<1x320x64xf32, #tpu.memory_space<vmem>>
      %dma_wait3A_142 = tpu.memref_squeeze %dma_wait3A_141 : memref<1x320x64xf32, #tpu.memory_space<vmem>> -> memref<320x64xf32, #tpu.memory_space<vmem>>
      %dma_wait3A_143 = arith.constant 0 : i32
      %dma_wait3A_144 = arith.constant 0 : i32
      %dma_wait3A_145 = tpu.memref_slice %arg3[%dma_wait3A_143, %dma_wait3A_144] : memref<1000000x64xf32, #tpu.memory_space<hbm>> -> memref<320x64xf32, #tpu.memory_space<hbm>>
      %dma_wait3A_146 = arith.constant 0 : i32
      %dma_wait3A_147 = arith.constant 0 : i32
      %dma_wait3A_148 = tpu.memref_slice %arg6[%dma_wait3A_138, %dma_wait3A_146, %dma_wait3A_147] : memref<4x320x64xf32, #tpu.memory_space<vmem>> -> memref<1x320x64xf32, #tpu.memory_space<vmem>>
      %dma_wait3A_149 = tpu.memref_squeeze %dma_wait3A_148 : memref<1x320x64xf32, #tpu.memory_space<vmem>> -> memref<320x64xf32, #tpu.memory_space<vmem>>
      %dma_wait3A_150 = arith.constant 0 : i32
      %dma_wait3A_151 = arith.constant 0 : i32
      %dma_wait3A_152 = tpu.memref_slice %arg3[%dma_wait3A_150, %dma_wait3A_151] : memref<1000000x64xf32, #tpu.memory_space<hbm>> -> memref<320x64xf32, #tpu.memory_space<hbm>>
      tpu.wait_dma2 semaphore(%arg8 : memref<!tpu.dma_semaphore, #tpu.memory_space<semaphore_mem>>) src(%dma_wait3A_152 : memref<320x64xf32, #tpu.memory_space<hbm>>) dst(%dma_wait3A_149 : memref<320x64xf32, #tpu.memory_space<vmem>>)
      %mul3A_153 = arith.constant 320 : i32
      %mul3A_154 = arith.muli %add3A_130, %mul3A_153 : i32
      %add3A_155 = arith.addi %mul3A_2, %mul3A_154 : i32
      %dma_start3A_156 = arith.constant 1 : i32
      %dma_start3A_157 = arith.constant 0 : i32
      %dma_start3A_158 = arith.constant 0 : i32
      %dma_start3A_159 = tpu.memref_slice %arg6[%dma_start3A_156, %dma_start3A_157, %dma_start3A_158] : memref<4x320x64xf32, #tpu.memory_space<vmem>> -> memref<1x320x64xf32, #tpu.memory_space<vmem>>
      %dma_start3A_160 = tpu.memref_squeeze %dma_start3A_159 : memref<1x320x64xf32, #tpu.memory_space<vmem>> -> memref<320x64xf32, #tpu.memory_space<vmem>>
      %dma_start3A_161 = arith.constant 0 : i32
      %dma_start3A_162 = tpu.memref_slice %arg4[%add3A_155, %dma_start3A_161] : memref<819200x64xf32, #tpu.memory_space<hbm>> -> memref<320x64xf32, #tpu.memory_space<hbm>>
      %dma_start3A_163 = arith.constant 0 : i32
      %dma_start3A_164 = tpu.memref_slice %arg4[%add3A_155, %dma_start3A_163] : memref<819200x64xf32, #tpu.memory_space<hbm>> -> memref<320x64xf32, #tpu.memory_space<hbm>>
      %dma_start3A_165 = arith.constant 0 : i32
      %dma_start3A_166 = arith.constant 0 : i32
      %dma_start3A_167 = tpu.memref_slice %arg6[%dma_start3A_156, %dma_start3A_165, %dma_start3A_166] : memref<4x320x64xf32, #tpu.memory_space<vmem>> -> memref<1x320x64xf32, #tpu.memory_space<vmem>>
      %dma_start3A_168 = tpu.memref_squeeze %dma_start3A_167 : memref<1x320x64xf32, #tpu.memory_space<vmem>> -> memref<320x64xf32, #tpu.memory_space<vmem>>
      tpu.enqueue_dma source(%dma_start3A_168 : memref<320x64xf32, #tpu.memory_space<vmem>>) target(%dma_start3A_164 : memref<320x64xf32, #tpu.memory_space<hbm>>) target_semaphore(%arg12 : memref<!tpu.dma_semaphore, #tpu.memory_space<semaphore_mem>>)
      %add3A_169 = arith.constant 2 : i32
      %add3A_170 = arith.addi %add3A_91, %add3A_169 : i32
      %add3A_171 = arith.constant 3 : i32
      %add3A_172 = arith.addi %add3A_170, %add3A_171 : i32
      %lt3A_173 = arith.constant 80 : i32
      %lt3A_174 = arith.cmpi slt, %add3A_172, %lt3A_173 : i32
      %convert_element_type3A_175 = arith.extui %lt3A_174 : i1 to i32
      %cond3A_176 = arith.constant 0 : i32
      %cond3A_177 = arith.cmpi ne, %convert_element_type3A_175, %cond3A_176 : i32
      scf.if %cond3A_177 {
        %ge3A = arith.constant 4 : i32
        %ge3A_249 = arith.cmpi sge, %add3A_172, %ge3A : i32
        %convert_element_type3A_250 = arith.extui %ge3A_249 : i1 to i32
        %cond3A_251 = arith.constant 0 : i32
        %cond3A_252 = arith.cmpi ne, %convert_element_type3A_250, %cond3A_251 : i32
        scf.if %cond3A_252 {
          %dma_wait3A_264 = arith.constant 1 : i32
          %dma_wait3A_265 = arith.constant 0 : i32
          %dma_wait3A_266 = arith.constant 0 : i32
          %dma_wait3A_267 = tpu.memref_slice %arg6[%dma_wait3A_264, %dma_wait3A_265, %dma_wait3A_266] : memref<4x320x64xf32, #tpu.memory_space<vmem>> -> memref<1x320x64xf32, #tpu.memory_space<vmem>>
          %dma_wait3A_268 = tpu.memref_squeeze %dma_wait3A_267 : memref<1x320x64xf32, #tpu.memory_space<vmem>> -> memref<320x64xf32, #tpu.memory_space<vmem>>
          %dma_wait3A_269 = arith.constant 0 : i32
          %dma_wait3A_270 = tpu.memref_slice %arg4[%mul3A_2, %dma_wait3A_269] : memref<819200x64xf32, #tpu.memory_space<hbm>> -> memref<320x64xf32, #tpu.memory_space<hbm>>
          %dma_wait3A_271 = arith.constant 0 : i32
          %dma_wait3A_272 = tpu.memref_slice %arg4[%mul3A_2, %dma_wait3A_271] : memref<819200x64xf32, #tpu.memory_space<hbm>> -> memref<320x64xf32, #tpu.memory_space<hbm>>
          %dma_wait3A_273 = arith.constant 0 : i32
          %dma_wait3A_274 = arith.constant 0 : i32
          %dma_wait3A_275 = tpu.memref_slice %arg6[%dma_wait3A_264, %dma_wait3A_273, %dma_wait3A_274] : memref<4x320x64xf32, #tpu.memory_space<vmem>> -> memref<1x320x64xf32, #tpu.memory_space<vmem>>
          %dma_wait3A_276 = tpu.memref_squeeze %dma_wait3A_275 : memref<1x320x64xf32, #tpu.memory_space<vmem>> -> memref<320x64xf32, #tpu.memory_space<vmem>>
          tpu.wait_dma2 semaphore(%arg12 : memref<!tpu.dma_semaphore, #tpu.memory_space<semaphore_mem>>) src(%dma_wait3A_276 : memref<320x64xf32, #tpu.memory_space<vmem>>) dst(%dma_wait3A_272 : memref<320x64xf32, #tpu.memory_space<hbm>>)
        } else {
        }
        %mul3A_253 = arith.constant 320 : i32
        %mul3A_254 = arith.muli %add3A_172, %mul3A_253 : i32
        %dma_start3A_255 = arith.constant 1 : i32
        %dma_start3A_256 = arith.constant 0 : i32
        %dma_start3A_257 = arith.constant 0 : i32
        %dma_start3A_258 = tpu.memref_slice %arg6[%dma_start3A_255, %dma_start3A_256, %dma_start3A_257] : memref<4x320x64xf32, #tpu.memory_space<vmem>> -> memref<1x320x64xf32, #tpu.memory_space<vmem>>
        %dma_start3A_259 = tpu.memref_squeeze %dma_start3A_258 : memref<1x320x64xf32, #tpu.memory_space<vmem>> -> memref<320x64xf32, #tpu.memory_space<vmem>>
        %dma_start3A_260 = tpu.memref_slice %arg5[%mul3A_254] : memref<25600xi32, #tpu.memory_space<vmem>> -> memref<320xi32, #tpu.memory_space<vmem>>
        %dma_start3A_261 = arith.constant 0 : i32
        %dma_start3A_262 = arith.constant 0 : i32
        %dma_start3A_263 = tpu.memref_slice %arg3[%dma_start3A_261, %dma_start3A_262] : memref<1000000x64xf32, #tpu.memory_space<hbm>> -> memref<1000000x64xf32, #tpu.memory_space<hbm>>
        tpu.enqueue_indirect_dma source(%dma_start3A_263 : memref<1000000x64xf32, #tpu.memory_space<hbm>>) target(%dma_start3A_259 : memref<320x64xf32, #tpu.memory_space<vmem>>) offsets(%dma_start3A_260 : memref<320xi32, #tpu.memory_space<vmem>>) semaphore(%arg8 : memref<!tpu.dma_semaphore, #tpu.memory_space<semaphore_mem>>)
      } else {
      }
      %dma_wait3A_178 = arith.constant 2 : i32
      %dma_wait3A_179 = arith.constant 0 : i32
      %dma_wait3A_180 = arith.constant 0 : i32
      %dma_wait3A_181 = tpu.memref_slice %arg6[%dma_wait3A_178, %dma_wait3A_179, %dma_wait3A_180] : memref<4x320x64xf32, #tpu.memory_space<vmem>> -> memref<1x320x64xf32, #tpu.memory_space<vmem>>
      %dma_wait3A_182 = tpu.memref_squeeze %dma_wait3A_181 : memref<1x320x64xf32, #tpu.memory_space<vmem>> -> memref<320x64xf32, #tpu.memory_space<vmem>>
      %dma_wait3A_183 = arith.constant 0 : i32
      %dma_wait3A_184 = arith.constant 0 : i32
      %dma_wait3A_185 = tpu.memref_slice %arg3[%dma_wait3A_183, %dma_wait3A_184] : memref<1000000x64xf32, #tpu.memory_space<hbm>> -> memref<320x64xf32, #tpu.memory_space<hbm>>
      %dma_wait3A_186 = arith.constant 0 : i32
      %dma_wait3A_187 = arith.constant 0 : i32
      %dma_wait3A_188 = tpu.memref_slice %arg6[%dma_wait3A_178, %dma_wait3A_186, %dma_wait3A_187] : memref<4x320x64xf32, #tpu.memory_space<vmem>> -> memref<1x320x64xf32, #tpu.memory_space<vmem>>
      %dma_wait3A_189 = tpu.memref_squeeze %dma_wait3A_188 : memref<1x320x64xf32, #tpu.memory_space<vmem>> -> memref<320x64xf32, #tpu.memory_space<vmem>>
      %dma_wait3A_190 = arith.constant 0 : i32
      %dma_wait3A_191 = arith.constant 0 : i32
      %dma_wait3A_192 = tpu.memref_slice %arg3[%dma_wait3A_190, %dma_wait3A_191] : memref<1000000x64xf32, #tpu.memory_space<hbm>> -> memref<320x64xf32, #tpu.memory_space<hbm>>
      tpu.wait_dma2 semaphore(%arg9 : memref<!tpu.dma_semaphore, #tpu.memory_space<semaphore_mem>>) src(%dma_wait3A_192 : memref<320x64xf32, #tpu.memory_space<hbm>>) dst(%dma_wait3A_189 : memref<320x64xf32, #tpu.memory_space<vmem>>)
      %mul3A_193 = arith.constant 320 : i32
      %mul3A_194 = arith.muli %add3A_170, %mul3A_193 : i32
      %add3A_195 = arith.addi %mul3A_2, %mul3A_194 : i32
      %dma_start3A_196 = arith.constant 2 : i32
      %dma_start3A_197 = arith.constant 0 : i32
      %dma_start3A_198 = arith.constant 0 : i32
      %dma_start3A_199 = tpu.memref_slice %arg6[%dma_start3A_196, %dma_start3A_197, %dma_start3A_198] : memref<4x320x64xf32, #tpu.memory_space<vmem>> -> memref<1x320x64xf32, #tpu.memory_space<vmem>>
      %dma_start3A_200 = tpu.memref_squeeze %dma_start3A_199 : memref<1x320x64xf32, #tpu.memory_space<vmem>> -> memref<320x64xf32, #tpu.memory_space<vmem>>
      %dma_start3A_201 = arith.constant 0 : i32
      %dma_start3A_202 = tpu.memref_slice %arg4[%add3A_195, %dma_start3A_201] : memref<819200x64xf32, #tpu.memory_space<hbm>> -> memref<320x64xf32, #tpu.memory_space<hbm>>
      %dma_start3A_203 = arith.constant 0 : i32
      %dma_start3A_204 = tpu.memref_slice %arg4[%add3A_195, %dma_start3A_203] : memref<819200x64xf32, #tpu.memory_space<hbm>> -> memref<320x64xf32, #tpu.memory_space<hbm>>
      %dma_start3A_205 = arith.constant 0 : i32
      %dma_start3A_206 = arith.constant 0 : i32
      %dma_start3A_207 = tpu.memref_slice %arg6[%dma_start3A_196, %dma_start3A_205, %dma_start3A_206] : memref<4x320x64xf32, #tpu.memory_space<vmem>> -> memref<1x320x64xf32, #tpu.memory_space<vmem>>
      %dma_start3A_208 = tpu.memref_squeeze %dma_start3A_207 : memref<1x320x64xf32, #tpu.memory_space<vmem>> -> memref<320x64xf32, #tpu.memory_space<vmem>>
      tpu.enqueue_dma source(%dma_start3A_208 : memref<320x64xf32, #tpu.memory_space<vmem>>) target(%dma_start3A_204 : memref<320x64xf32, #tpu.memory_space<hbm>>) target_semaphore(%arg13 : memref<!tpu.dma_semaphore, #tpu.memory_space<semaphore_mem>>)
      %add3A_209 = arith.constant 3 : i32
      %add3A_210 = arith.addi %add3A_91, %add3A_209 : i32
      %add3A_211 = arith.constant 3 : i32
      %add3A_212 = arith.addi %add3A_210, %add3A_211 : i32
      %lt3A_213 = arith.constant 80 : i32
      %lt3A_214 = arith.cmpi slt, %add3A_212, %lt3A_213 : i32
      %convert_element_type3A_215 = arith.extui %lt3A_214 : i1 to i32
      %cond3A_216 = arith.constant 0 : i32
      %cond3A_217 = arith.cmpi ne, %convert_element_type3A_215, %cond3A_216 : i32
      scf.if %cond3A_217 {
        %ge3A = arith.constant 4 : i32
        %ge3A_249 = arith.cmpi sge, %add3A_212, %ge3A : i32
        %convert_element_type3A_250 = arith.extui %ge3A_249 : i1 to i32
        %cond3A_251 = arith.constant 0 : i32
        %cond3A_252 = arith.cmpi ne, %convert_element_type3A_250, %cond3A_251 : i32
        scf.if %cond3A_252 {
          %dma_wait3A_264 = arith.constant 2 : i32
          %dma_wait3A_265 = arith.constant 0 : i32
          %dma_wait3A_266 = arith.constant 0 : i32
          %dma_wait3A_267 = tpu.memref_slice %arg6[%dma_wait3A_264, %dma_wait3A_265, %dma_wait3A_266] : memref<4x320x64xf32, #tpu.memory_space<vmem>> -> memref<1x320x64xf32, #tpu.memory_space<vmem>>
          %dma_wait3A_268 = tpu.memref_squeeze %dma_wait3A_267 : memref<1x320x64xf32, #tpu.memory_space<vmem>> -> memref<320x64xf32, #tpu.memory_space<vmem>>
          %dma_wait3A_269 = arith.constant 0 : i32
          %dma_wait3A_270 = tpu.memref_slice %arg4[%mul3A_2, %dma_wait3A_269] : memref<819200x64xf32, #tpu.memory_space<hbm>> -> memref<320x64xf32, #tpu.memory_space<hbm>>
          %dma_wait3A_271 = arith.constant 0 : i32
          %dma_wait3A_272 = tpu.memref_slice %arg4[%mul3A_2, %dma_wait3A_271] : memref<819200x64xf32, #tpu.memory_space<hbm>> -> memref<320x64xf32, #tpu.memory_space<hbm>>
          %dma_wait3A_273 = arith.constant 0 : i32
          %dma_wait3A_274 = arith.constant 0 : i32
          %dma_wait3A_275 = tpu.memref_slice %arg6[%dma_wait3A_264, %dma_wait3A_273, %dma_wait3A_274] : memref<4x320x64xf32, #tpu.memory_space<vmem>> -> memref<1x320x64xf32, #tpu.memory_space<vmem>>
          %dma_wait3A_276 = tpu.memref_squeeze %dma_wait3A_275 : memref<1x320x64xf32, #tpu.memory_space<vmem>> -> memref<320x64xf32, #tpu.memory_space<vmem>>
          tpu.wait_dma2 semaphore(%arg13 : memref<!tpu.dma_semaphore, #tpu.memory_space<semaphore_mem>>) src(%dma_wait3A_276 : memref<320x64xf32, #tpu.memory_space<vmem>>) dst(%dma_wait3A_272 : memref<320x64xf32, #tpu.memory_space<hbm>>)
        } else {
        }
        %mul3A_253 = arith.constant 320 : i32
        %mul3A_254 = arith.muli %add3A_212, %mul3A_253 : i32
        %dma_start3A_255 = arith.constant 2 : i32
        %dma_start3A_256 = arith.constant 0 : i32
        %dma_start3A_257 = arith.constant 0 : i32
        %dma_start3A_258 = tpu.memref_slice %arg6[%dma_start3A_255, %dma_start3A_256, %dma_start3A_257] : memref<4x320x64xf32, #tpu.memory_space<vmem>> -> memref<1x320x64xf32, #tpu.memory_space<vmem>>
        %dma_start3A_259 = tpu.memref_squeeze %dma_start3A_258 : memref<1x320x64xf32, #tpu.memory_space<vmem>> -> memref<320x64xf32, #tpu.memory_space<vmem>>
        %dma_start3A_260 = tpu.memref_slice %arg5[%mul3A_254] : memref<25600xi32, #tpu.memory_space<vmem>> -> memref<320xi32, #tpu.memory_space<vmem>>
        %dma_start3A_261 = arith.constant 0 : i32
        %dma_start3A_262 = arith.constant 0 : i32
        %dma_start3A_263 = tpu.memref_slice %arg3[%dma_start3A_261, %dma_start3A_262] : memref<1000000x64xf32, #tpu.memory_space<hbm>> -> memref<1000000x64xf32, #tpu.memory_space<hbm>>
        tpu.enqueue_indirect_dma source(%dma_start3A_263 : memref<1000000x64xf32, #tpu.memory_space<hbm>>) target(%dma_start3A_259 : memref<320x64xf32, #tpu.memory_space<vmem>>) offsets(%dma_start3A_260 : memref<320xi32, #tpu.memory_space<vmem>>) semaphore(%arg9 : memref<!tpu.dma_semaphore, #tpu.memory_space<semaphore_mem>>)
      } else {
      }
      %dma_wait3A_218 = arith.constant 3 : i32
      %dma_wait3A_219 = arith.constant 0 : i32
      %dma_wait3A_220 = arith.constant 0 : i32
      %dma_wait3A_221 = tpu.memref_slice %arg6[%dma_wait3A_218, %dma_wait3A_219, %dma_wait3A_220] : memref<4x320x64xf32, #tpu.memory_space<vmem>> -> memref<1x320x64xf32, #tpu.memory_space<vmem>>
      %dma_wait3A_222 = tpu.memref_squeeze %dma_wait3A_221 : memref<1x320x64xf32, #tpu.memory_space<vmem>> -> memref<320x64xf32, #tpu.memory_space<vmem>>
      %dma_wait3A_223 = arith.constant 0 : i32
      %dma_wait3A_224 = arith.constant 0 : i32
      %dma_wait3A_225 = tpu.memref_slice %arg3[%dma_wait3A_223, %dma_wait3A_224] : memref<1000000x64xf32, #tpu.memory_space<hbm>> -> memref<320x64xf32, #tpu.memory_space<hbm>>
      %dma_wait3A_226 = arith.constant 0 : i32
      %dma_wait3A_227 = arith.constant 0 : i32
      %dma_wait3A_228 = tpu.memref_slice %arg6[%dma_wait3A_218, %dma_wait3A_226, %dma_wait3A_227] : memref<4x320x64xf32, #tpu.memory_space<vmem>> -> memref<1x320x64xf32, #tpu.memory_space<vmem>>
      %dma_wait3A_229 = tpu.memref_squeeze %dma_wait3A_228 : memref<1x320x64xf32, #tpu.memory_space<vmem>> -> memref<320x64xf32, #tpu.memory_space<vmem>>
      %dma_wait3A_230 = arith.constant 0 : i32
      %dma_wait3A_231 = arith.constant 0 : i32
      %dma_wait3A_232 = tpu.memref_slice %arg3[%dma_wait3A_230, %dma_wait3A_231] : memref<1000000x64xf32, #tpu.memory_space<hbm>> -> memref<320x64xf32, #tpu.memory_space<hbm>>
      tpu.wait_dma2 semaphore(%arg10 : memref<!tpu.dma_semaphore, #tpu.memory_space<semaphore_mem>>) src(%dma_wait3A_232 : memref<320x64xf32, #tpu.memory_space<hbm>>) dst(%dma_wait3A_229 : memref<320x64xf32, #tpu.memory_space<vmem>>)
      %mul3A_233 = arith.constant 320 : i32
      %mul3A_234 = arith.muli %add3A_210, %mul3A_233 : i32
      %add3A_235 = arith.addi %mul3A_2, %mul3A_234 : i32
      %dma_start3A_236 = arith.constant 3 : i32
      %dma_start3A_237 = arith.constant 0 : i32
      %dma_start3A_238 = arith.constant 0 : i32
      %dma_start3A_239 = tpu.memref_slice %arg6[%dma_start3A_236, %dma_start3A_237, %dma_start3A_238] : memref<4x320x64xf32, #tpu.memory_space<vmem>> -> memref<1x320x64xf32, #tpu.memory_space<vmem>>
      %dma_start3A_240 = tpu.memref_squeeze %dma_start3A_239 : memref<1x320x64xf32, #tpu.memory_space<vmem>> -> memref<320x64xf32, #tpu.memory_space<vmem>>
      %dma_start3A_241 = arith.constant 0 : i32
      %dma_start3A_242 = tpu.memref_slice %arg4[%add3A_235, %dma_start3A_241] : memref<819200x64xf32, #tpu.memory_space<hbm>> -> memref<320x64xf32, #tpu.memory_space<hbm>>
      %dma_start3A_243 = arith.constant 0 : i32
      %dma_start3A_244 = tpu.memref_slice %arg4[%add3A_235, %dma_start3A_243] : memref<819200x64xf32, #tpu.memory_space<hbm>> -> memref<320x64xf32, #tpu.memory_space<hbm>>
      %dma_start3A_245 = arith.constant 0 : i32
      %dma_start3A_246 = arith.constant 0 : i32
      %dma_start3A_247 = tpu.memref_slice %arg6[%dma_start3A_236, %dma_start3A_245, %dma_start3A_246] : memref<4x320x64xf32, #tpu.memory_space<vmem>> -> memref<1x320x64xf32, #tpu.memory_space<vmem>>
      %dma_start3A_248 = tpu.memref_squeeze %dma_start3A_247 : memref<1x320x64xf32, #tpu.memory_space<vmem>> -> memref<320x64xf32, #tpu.memory_space<vmem>>
      tpu.enqueue_dma source(%dma_start3A_248 : memref<320x64xf32, #tpu.memory_space<vmem>>) target(%dma_start3A_244 : memref<320x64xf32, #tpu.memory_space<hbm>>) target_semaphore(%arg14 : memref<!tpu.dma_semaphore, #tpu.memory_space<semaphore_mem>>)
    }
    %scan3A_35 = arith.constant 20 : i32
    %dma_wait3A = arith.constant 0 : i32
    %dma_wait3A_36 = arith.constant 0 : i32
    %dma_wait3A_37 = arith.constant 0 : i32
    %dma_wait3A_38 = tpu.memref_slice %arg6[%dma_wait3A, %dma_wait3A_36, %dma_wait3A_37] : memref<4x320x64xf32, #tpu.memory_space<vmem>> -> memref<1x320x64xf32, #tpu.memory_space<vmem>>
    %dma_wait3A_39 = tpu.memref_squeeze %dma_wait3A_38 : memref<1x320x64xf32, #tpu.memory_space<vmem>> -> memref<320x64xf32, #tpu.memory_space<vmem>>
    %dma_wait3A_40 = arith.constant 0 : i32
    %dma_wait3A_41 = tpu.memref_slice %arg4[%mul3A_2, %dma_wait3A_40] : memref<819200x64xf32, #tpu.memory_space<hbm>> -> memref<320x64xf32, #tpu.memory_space<hbm>>
    %dma_wait3A_42 = arith.constant 0 : i32
    %dma_wait3A_43 = tpu.memref_slice %arg4[%mul3A_2, %dma_wait3A_42] : memref<819200x64xf32, #tpu.memory_space<hbm>> -> memref<320x64xf32, #tpu.memory_space<hbm>>
    %dma_wait3A_44 = arith.constant 0 : i32
    %dma_wait3A_45 = arith.constant 0 : i32
    %dma_wait3A_46 = tpu.memref_slice %arg6[%dma_wait3A, %dma_wait3A_44, %dma_wait3A_45] : memref<4x320x64xf32, #tpu.memory_space<vmem>> -> memref<1x320x64xf32, #tpu.memory_space<vmem>>
    %dma_wait3A_47 = tpu.memref_squeeze %dma_wait3A_46 : memref<1x320x64xf32, #tpu.memory_space<vmem>> -> memref<320x64xf32, #tpu.memory_space<vmem>>
    tpu.wait_dma2 semaphore(%arg11 : memref<!tpu.dma_semaphore, #tpu.memory_space<semaphore_mem>>) src(%dma_wait3A_47 : memref<320x64xf32, #tpu.memory_space<vmem>>) dst(%dma_wait3A_43 : memref<320x64xf32, #tpu.memory_space<hbm>>)
    %dma_wait3A_48 = arith.constant 1 : i32
    %dma_wait3A_49 = arith.constant 0 : i32
    %dma_wait3A_50 = arith.constant 0 : i32
    %dma_wait3A_51 = tpu.memref_slice %arg6[%dma_wait3A_48, %dma_wait3A_49, %dma_wait3A_50] : memref<4x320x64xf32, #tpu.memory_space<vmem>> -> memref<1x320x64xf32, #tpu.memory_space<vmem>>
    %dma_wait3A_52 = tpu.memref_squeeze %dma_wait3A_51 : memref<1x320x64xf32, #tpu.memory_space<vmem>> -> memref<320x64xf32, #tpu.memory_space<vmem>>
    %dma_wait3A_53 = arith.constant 0 : i32
    %dma_wait3A_54 = tpu.memref_slice %arg4[%mul3A_2, %dma_wait3A_53] : memref<819200x64xf32, #tpu.memory_space<hbm>> -> memref<320x64xf32, #tpu.memory_space<hbm>>
    %dma_wait3A_55 = arith.constant 0 : i32
    %dma_wait3A_56 = tpu.memref_slice %arg4[%mul3A_2, %dma_wait3A_55] : memref<819200x64xf32, #tpu.memory_space<hbm>> -> memref<320x64xf32, #tpu.memory_space<hbm>>
    %dma_wait3A_57 = arith.constant 0 : i32
    %dma_wait3A_58 = arith.constant 0 : i32
    %dma_wait3A_59 = tpu.memref_slice %arg6[%dma_wait3A_48, %dma_wait3A_57, %dma_wait3A_58] : memref<4x320x64xf32, #tpu.memory_space<vmem>> -> memref<1x320x64xf32, #tpu.memory_space<vmem>>
    %dma_wait3A_60 = tpu.memref_squeeze %dma_wait3A_59 : memref<1x320x64xf32, #tpu.memory_space<vmem>> -> memref<320x64xf32, #tpu.memory_space<vmem>>
    tpu.wait_dma2 semaphore(%arg12 : memref<!tpu.dma_semaphore, #tpu.memory_space<semaphore_mem>>) src(%dma_wait3A_60 : memref<320x64xf32, #tpu.memory_space<vmem>>) dst(%dma_wait3A_56 : memref<320x64xf32, #tpu.memory_space<hbm>>)
    %dma_wait3A_61 = arith.constant 2 : i32
    %dma_wait3A_62 = arith.constant 0 : i32
    %dma_wait3A_63 = arith.constant 0 : i32
    %dma_wait3A_64 = tpu.memref_slice %arg6[%dma_wait3A_61, %dma_wait3A_62, %dma_wait3A_63] : memref<4x320x64xf32, #tpu.memory_space<vmem>> -> memref<1x320x64xf32, #tpu.memory_space<vmem>>
    %dma_wait3A_65 = tpu.memref_squeeze %dma_wait3A_64 : memref<1x320x64xf32, #tpu.memory_space<vmem>> -> memref<320x64xf32, #tpu.memory_space<vmem>>
    %dma_wait3A_66 = arith.constant 0 : i32
    %dma_wait3A_67 = tpu.memref_slice %arg4[%mul3A_2, %dma_wait3A_66] : memref<819200x64xf32, #tpu.memory_space<hbm>> -> memref<320x64xf32, #tpu.memory_space<hbm>>
    %dma_wait3A_68 = arith.constant 0 : i32
    %dma_wait3A_69 = tpu.memref_slice %arg4[%mul3A_2, %dma_wait3A_68] : memref<819200x64xf32, #tpu.memory_space<hbm>> -> memref<320x64xf32, #tpu.memory_space<hbm>>
    %dma_wait3A_70 = arith.constant 0 : i32
    %dma_wait3A_71 = arith.constant 0 : i32
    %dma_wait3A_72 = tpu.memref_slice %arg6[%dma_wait3A_61, %dma_wait3A_70, %dma_wait3A_71] : memref<4x320x64xf32, #tpu.memory_space<vmem>> -> memref<1x320x64xf32, #tpu.memory_space<vmem>>
    %dma_wait3A_73 = tpu.memref_squeeze %dma_wait3A_72 : memref<1x320x64xf32, #tpu.memory_space<vmem>> -> memref<320x64xf32, #tpu.memory_space<vmem>>
    tpu.wait_dma2 semaphore(%arg13 : memref<!tpu.dma_semaphore, #tpu.memory_space<semaphore_mem>>) src(%dma_wait3A_73 : memref<320x64xf32, #tpu.memory_space<vmem>>) dst(%dma_wait3A_69 : memref<320x64xf32, #tpu.memory_space<hbm>>)
    %dma_wait3A_74 = arith.constant 3 : i32
    %dma_wait3A_75 = arith.constant 0 : i32
    %dma_wait3A_76 = arith.constant 0 : i32
    %dma_wait3A_77 = tpu.memref_slice %arg6[%dma_wait3A_74, %dma_wait3A_75, %dma_wait3A_76] : memref<4x320x64xf32, #tpu.memory_space<vmem>> -> memref<1x320x64xf32, #tpu.memory_space<vmem>>
    %dma_wait3A_78 = tpu.memref_squeeze %dma_wait3A_77 : memref<1x320x64xf32, #tpu.memory_space<vmem>> -> memref<320x64xf32, #tpu.memory_space<vmem>>
    %dma_wait3A_79 = arith.constant 0 : i32
    %dma_wait3A_80 = tpu.memref_slice %arg4[%mul3A_2, %dma_wait3A_79] : memref<819200x64xf32, #tpu.memory_space<hbm>> -> memref<320x64xf32, #tpu.memory_space<hbm>>
    %dma_wait3A_81 = arith.constant 0 : i32
    %dma_wait3A_82 = tpu.memref_slice %arg4[%mul3A_2, %dma_wait3A_81] : memref<819200x64xf32, #tpu.memory_space<hbm>> -> memref<320x64xf32, #tpu.memory_space<hbm>>
    %dma_wait3A_83 = arith.constant 0 : i32
    %dma_wait3A_84 = arith.constant 0 : i32
    %dma_wait3A_85 = tpu.memref_slice %arg6[%dma_wait3A_74, %dma_wait3A_83, %dma_wait3A_84] : memref<4x320x64xf32, #tpu.memory_space<vmem>> -> memref<1x320x64xf32, #tpu.memory_space<vmem>>
    %dma_wait3A_86 = tpu.memref_squeeze %dma_wait3A_85 : memref<1x320x64xf32, #tpu.memory_space<vmem>> -> memref<320x64xf32, #tpu.memory_space<vmem>>
    tpu.wait_dma2 semaphore(%arg14 : memref<!tpu.dma_semaphore, #tpu.memory_space<semaphore_mem>>) src(%dma_wait3A_86 : memref<320x64xf32, #tpu.memory_space<vmem>>) dst(%dma_wait3A_82 : memref<320x64xf32, #tpu.memory_space<hbm>>)
    return
  }
}

</mosaic_0001>

<sc_bundles>
// kernel: _sc_gather.3.cloned.1.call-start
scs
__scs_entry_jumppad:
0x0: {  	(pc) =	sbr.rel $0x88, $3  }
0x1: {  	(tag) =	ssettag $0x0;
	lr =	simm.s32 $0x1  }
0x2: {  	[smem:$0x3F9F] =	sst lr;
	_ =	strace $0xD0000000  }
0x3: {  	_ = 	snop  }
0x4: {  	_ = 	snop  }
0x5: {  	_ = 	snop  }
0x6: {  	_ = 	snop  }
0x7: {  	_ = 	snop  }
__scs_overlays_trampoline_lowered:
0x8: {  	[smem:$0x3FAE] =	sst s0  }
0x9: {  	[smem:$0x3FAF] =	sst s1  }
0xa: {  	[smem:$0x3FB0] =	sst s2  }
0xb: {  	[smem:$0x3FB1] =	sst s3  }
0xc: {  	[smem:$0x3FB2] =	sst s4  }
0xd: {  	[smem:$0x3FB3] =	sst s5  }
0xe: {  	[smem:$0x3FB4] =	sst s6  }
0xf: {  	[smem:$0x3FB5] =	sst s7  }
0x10: {  	[smem:$0x3FB6] =	sst s8  }
0x11: {  	[smem:$0x3FB7] =	sst s9;
	s0 =	simm.s32 @!p0 $0x0  }
0x12: {  	s1 =	sld [smem:$0x3F9D];
	s0 =	simm.s32 @p0 $0x1  }
0x13: {  	[smem:$0x3FB8] =	sst s0;
	s0 =	simm.s32 @!p1 $0x0  }
0x14: {  	s2 =	sld [smem:$0x3F9C];
	s0 =	simm.s32 @p1 $0x1  }
0x15: {  	[smem:$0x3FB9] =	sst s0;
	s0 =	simm.s32 @!p2 $0x0  }
0x16: {  	s3 =	sld [smem:$0x3FDB];
	s0 =	simm.s32 @p2 $0x1  }
0x17: {  	s4 =	simm.s32 $0x1BF5;
	[smem:$0x3FBB] =	sst s0  }
0x18: {  	s0 =	sld [smem:$0x3F9E];
	_ =	swait.ge [sflag:s4], $0x0  }
0x19: {  	s7 =	sld [smem:$0x3F9F]  }
0x1a: {  	s8 =	sadd.s32 $0xFFFFE003, lr  }
0x1b: {  	s9 =	sadd.s32 $0xFFFFFEF7, lr;
	s5 =	simm.s32 $0xFFFFFFFF;
	p2 =	slt.u32 s8, $0xFFFFF086  }
0x1c: {  	p1 =	slt.u32 s9, $0xF7A;
	s5 =	simm.s32 @!p2 $0x0  }
0x1d: {  	s5 =	simm.s32 @p1 $0x1;
	p0 =	seq.s32 s7, s2  }
0x1e: {  	s7 =	smul.u32 @!p0 $0xF7A, s2;
	p2 =	seq.s32 @!p0 s5, $0x0  }
0x1f: {  	s9 =	smul.u32 $0xF7A, s1;
	s8 =	simm.s32 @!p0 $0x1BF5;
	p2 =	por !p2, p0  }
0x20: {  	[sflag:s8] =	ssyncset.s32 @!p0 $0xFFFFF086;
	s6 =	sadd.s32 @!p0 s3, s7;
	s7 =	simm.s32 @!p0 $0x108  }
0x21: {  	s3 =	sadd.s32 s3, s9;
	s6 =	sadd.s32 @!p0 $0x88, s6;
	s7 =	simm.s32 @p2 $0x1082  }
0x22: {  	[simem:s7], [sflag:s8] =	dma.local @!p0 [hbm:s6], $0xF7A  }
0x23: {  	s9 =	sor.u32 $0xD0000000, s2;
	s6 =	simm.s32 $0x108;
	_ =	swait.ge @!p0 [sflag:s8], $0x0  }
0x24: {  	s3 =	sadd.s32 $0x88, s3;
	s6 =	simm.s32 @!p1 $0x1082;
	[sflag:s4] =	ssyncset.s32 $0xFFFFF086  }
0x25: {  	[simem:s6], [sflag:s4] =	dma.local [hbm:s3], $0xF7A  }
0x26: {  	[smem:$0x3F9F] =	sst s1;
	(tag) =	ssettag s2;
	_ =	strace s9  }
0x27: {  	s1 =	sld [smem:$0x3FAF]  }
0x28: {  	s2 =	sld [smem:$0x3FB0]  }
0x29: {  	s4 =	sld [smem:$0x3FB2]  }
0x2a: {  	p0 =	seq.s32 s5, $0x0;
	s5 =	sld [smem:$0x3FB3]  }
0x2b: {  	s6 =	sld [smem:$0x3FB4]  }
0x2c: {  	s7 =	sld [smem:$0x3FB5]  }
0x2d: {  	s3 =	simm.s32 $0x108;
	s8 =	sld [smem:$0x3FB6]  }
0x2e: {  	s3 =	simm.s32 @!p0 $0x1082;
	s9 =	sld [smem:$0x3FB7]  }
0x2f: {  	lr =	sadd.s32 s0, s3;
	s0 =	sld [smem:$0x3FAE]  }
0x30: {  	s3 =	sld [smem:$0x3FB1]  }
0x31: {  	[smem:$0x3FBA] =	sst s10  }
0x32: {  	s10 =	sld [smem:$0x3FB8];
	_ =	sdelay $0x3  }
0x33: {  	p0 =	seq.s32 s10, $0x1;
	s10 =	sld [smem:$0x3FBA];
	_ =	sdelay $0x3  }
0x34: {  	[smem:$0x3FBA] =	sst s10  }
0x35: {  	s10 =	sld [smem:$0x3FB9];
	_ =	sdelay $0x3  }
0x36: {  	p1 =	seq.s32 s10, $0x1;
	s10 =	sld [smem:$0x3FBA];
	_ =	sdelay $0x3  }
0x37: {  	[smem:$0x3FBA] =	sst s10  }
0x38: {  	s10 =	sld [smem:$0x3FBB]  }
0x39: {  	_ = 	snop;
	(pc) =	sbr.ind lr, $3  }
0x3a: {  	_ = 	snop  }
0x3b: {  	_ = 	snop  }
0x3c: {  	p2 =	seq.s32 s10, $0x1;
	s10 =	sld [smem:$0x3FBA]  }
0x3d: {  	_ =	shalt  }
0x3e: {  	_ =	shalt  }
0x3f: {  	_ =	shalt  }
0x40: {  	_ =	shalt  }
0x41: {  	_ =	shalt  }
0x42: {  	_ =	shalt  }
0x43: {  	_ =	shalt  }
0x44: {  	_ =	shalt  }
0x45: {  	_ =	shalt  }
0x46: {  	_ =	shalt  }
0x47: {  	_ =	shalt  }
0x48: {  	_ =	shalt  }
0x49: {  	_ =	shalt  }
0x4a: {  	_ =	shalt  }
0x4b: {  	_ =	shalt  }
0x4c: {  	_ =	shalt  }
0x4d: {  	_ =	shalt  }
0x4e: {  	_ =	shalt  }
0x4f: {  	_ =	shalt  }
0x50: {  	_ =	shalt  }
0x51: {  	_ =	shalt  }
0x52: {  	_ =	shalt  }
0x53: {  	_ =	shalt  }
0x54: {  	_ =	shalt  }
0x55: {  	_ =	shalt  }
0x56: {  	_ =	shalt  }
0x57: {  	_ =	shalt  }
0x58: {  	_ =	shalt  }
0x59: {  	_ =	shalt  }
0x5a: {  	_ =	shalt  }
0x5b: {  	_ =	shalt  }
0x5c: {  	_ =	shalt  }
0x5d: {  	_ =	shalt  }
0x5e: {  	_ =	shalt  }
0x5f: {  	_ =	shalt  }
0x60: {  	_ =	shalt  }
0x61: {  	_ =	shalt  }
0x62: {  	_ =	shalt  }
0x63: {  	_ =	shalt  }
0x64: {  	_ =	shalt  }
0x65: {  	_ =	shalt  }
0x66: {  	_ =	shalt  }
0x67: {  	_ =	shalt  }
0x68: {  	_ =	shalt  }
0x69: {  	_ =	shalt  }
0x6a: {  	_ =	shalt  }
0x6b: {  	_ =	shalt  }
0x6c: {  	_ =	shalt  }
0x6d: {  	_ =	shalt  }
0x6e: {  	_ =	shalt  }
0x6f: {  	_ =	shalt  }
0x70: {  	_ =	shalt  }
0x71: {  	_ =	shalt  }
0x72: {  	_ =	shalt  }
0x73: {  	_ =	shalt  }
0x74: {  	_ =	shalt  }
0x75: {  	_ =	shalt  }
0x76: {  	_ =	shalt  }
0x77: {  	_ =	shalt  }
0x78: {  	_ =	shalt  }
0x79: {  	_ =	shalt  }
0x7a: {  	_ =	shalt  }
0x7b: {  	_ =	shalt  }
0x7c: {  	_ =	shalt  }
0x7d: {  	_ =	shalt  }
0x7e: {  	_ =	shalt  }
0x7f: {  	_ =	shalt  }
0x80: {  	_ =	shalt  }
0x81: {  	_ =	shalt  }
0x82: {  	_ =	shalt  }
0x83: {  	_ =	shalt  }
0x84: {  	_ =	shalt  }
0x85: {  	_ =	shalt  }
0x86: {  	_ =	shalt  }
0x87: {  	_ =	shalt  }
.Lfunc_end0:
.L_simem_size_0:
called_computation.1_lowered:
.L_overlay_start_0:
0x88: {  	s2 =	sld [smem:$0x3FD9]  }
0x89: {  	s3 =	sld [smem:$0x3FFE];
	_ =	sdelay $0x1  }
0x8a: {  	s1 =	srdreg.scid  }
0x8b: {  	s0 =	sand.u32 $0x1, s1  }
0x8c: {  	s17 =	sshll.u32 s0, $0xA;
	s2 =	sadd.s32 s3, s2  }
0x8d: {  	s2 =	sadd.s32 s2, s17  }
0x8e: {  	[smem:$0x3FC6] =	sst s2  }
0x8f: {  	_ = 	snop  }
0x90: {  	s2 =	sld [smem:$0x3FC9]  }
0x91: {  	s18 =	sld [smem:$0x3FD0];
	(tm) =	ssettm $0x1  }
0x92: {  	s4 =	sld [smem:$0x3FFB];
	_ =	sdelay $0x3  }
0x93: {  	_ =	strace s4  }
0x94: {  	s4 =	sld [smem:$0x3FFC];
	_ =	sdelay $0x3  }
0x95: {  	_ =	strace s4  }
0x96: {  	s4 =	sld [smem:$0x3FFD];
	_ =	sdelay $0x3  }
0x97: {  	_ =	strace s4  }
0x98: {  	_ =	strace $0x8FFFFFFF  }
0x99: {  	s19 =	sld [smem:$0x3FDB];
	_ =	sdelay $0x1  }
0x9a: {  	s5 =	simm.s32 $_scs_section_size  }
0x9b: {  	s6 =	simm.s32 $_size__tile_overlayer_lowered;
	s7 =	simm.s32 $_tile_overlayer_lowered  }
0x9c: {  	s22 =	simm.s32 $0x1BFF;
	s21 =	sshll.u32 s7, $0x1;
	s4 =	sadd.s32 s5, s19  }
0x9d: {  	s8 =	simm.s32 $0x0;
	s20 =	sshll.u32 s6, $0x1;
	s6 =	sadd.s32 s21, s4  }
0x9e: {  	[timem:s8], [sflag:s22] =	dma.local [hbm:s6], s20  }
0x9f: {  	_ =	swait.ge [sflag:s22], s20  }
0xa0: {  	s5 =	ssub.s32 $0x0, s20;
	[sflag:s22] =	ssyncset.done $0x0  }
0xa1: {  	[sflag:s22] =	ssyncadd.s32 s5;
	_ =	sdelay $0x1  }
0xa2: {  	s23 =	simm.s32 $0x1B8B  }
0xa3: {  	_ =	swait.ge [sflag:s23], $0x1  }
0xa4: {  	[sflag:s23] =	ssyncset.done $0x0  }
0xa5: {  	s25 =	simm.s32 $0x1B8E;
	s24 =	sld [smem:$0x3FFE];
	[sflag:s23] =	ssyncadd.s32 $0xFFFFFFFF  }
0xa6: {  	s26 =	simm.s32 $execute0_lowered;
	[smem:$0x3FD2] =	sst s25  }
0xa7: {  	s6 =	sshll.u32 s26, $0x1;
	_ =	strace $0x80000046;
	[dreg:$0x1] =	wrdreg $0xFFFFFFFF  }
0xa8: {  	s28 =	simm.s32 $_size_execute0_lowered;
	s4 =	sadd.s32 s4, s6;
	[dreg:$0x0] =	wrdreg $0x0  }
0xa9: {  	s6 =	sshll.u32 s28, $0x1;
	[dreg:$0x2] =	wrdreg s4  }
0xaa: {  	[dreg:$0x3] =	wrdreg s6  }
0xab: {  	[dreg:$0x4] =	wrdreg $0xC0  }
0xac: {  	_ =	task [dreg:s8], $0x5FFFF  }
0xad: {  	[dreg:$0x1] =	wrdreg $0xFFFFFFFF  }
0xae: {  	[dreg:$0x0] =	wrdreg $0x60  }
0xaf: {  	[dreg:$0x2] =	wrdreg s2  }
0xb0: {  	[dreg:$0x3] =	wrdreg s24  }
0xb1: {  	[dreg:$0x4] =	wrdreg s18  }
0xb2: {  	[dreg:$0x5] =	wrdreg $0x9  }
0xb3: {  	_ =	task.clear_ibuf [dreg:s8], $0x6FFFF;
	_ =	strace $0x90000046  }
0xb4: {  	s29 =	simm.s32 $0x9;
	_ =	strace $0x80000048  }
0xb5: {  	_ =	swait.ge [sflag:s29], $0x1  }
0xb6: {  	[sflag:s29] =	ssyncadd.s32 $0xFFFFFFFF  }
0xb7: {  	_ =	strace $0x90000048  }
0xb8: {  	_ =	sfence  }
0xb9: {  	s30 =	sld [smem:$0x0];
	_ =	sdelay $0x2  }
0xba: {  	s31 =	sshll.u32 s1, $0xD;
	s1 =	sshrl.u32 s1, $0x2  }
0xbb: {  	s3 =	sand.u32 $0x4000, s31;
	s1 =	sadd.s32 s1, s30  }
0xbc: {  	s0 =	sor.u32 s3, s0;
	s1 =	sshll.u32 s1, $0x11  }
0xbd: {  	s0 =	sor.u32 s1, s0  }
0xbe: {  	s0 =	sadd.s32 $0x8F2B, s0  }
0xbf: {  	[sflag:s0] =	ssyncadd.remote.s32 $0x1  }
0xc0: {  	_ =	sfence.sel $0xFFFF  }
0xc1: {  	[dreg:$0x0] =	wrdreg $0xFFFFFFFF;
	(pc) =	sbr.abs _section_cstart, $3  }
0xc2: {  	[dreg:$0x1] =	wrdreg $0xFFFFFFFF  }
0xc3: {  	_ =	task.clear_ibuf [dreg:s8], $0x2FFFF;
	_ =	strace $0x9FFFFFFF  }
0xc4: {  	(tm) =	ssettm $0x7FFFFFFF  }
0xc5: {  	_ =	shalt  }
tec
execute0_lowered:
.L_overlay_start_1:
0x0: {  	(tag) =	ssettag $0x1  }
0x1: {  	s1 =	rddreg [dreg:$0x0]  }
0x2: {  	s0 =	srdreg.scid;
	s3 =	rddreg [dreg:$0x1]  }
0x3: {  	s10 =	stileid.u32;
	s8 =	rddreg [dreg:$0x2]  }
0x4: {  	s11 =	simm.s32 $0x140;
	s12 =	simm.s32 $0x6400;
	s13 =	simm.s32 $0xB400  }
0x5: {  	s15 =	simm.s32 $0x10400;
	s16 =	simm.s32 $0x15400;
	s17 =	simm.s32 $0x1  }
0x6: {  	s18 =	simm.s32 $0x2;
	s19 =	simm.s32 $0x3;
	s20 =	simm.s32 $0x4  }
0x7: {  	s24 =	simm.s32 $0x8;
	s25 =	simm.s32 $0x0;
	s5 =	smul.u32 $0xC800, s10  }
0x8: {  	s0 =	sand.u32 $0x1, s0;
	s2 =	sshll.u32 s10, $0x1;
	s30 =	smul.u32 $0x64000, s10  }
0x9: {  	s3 =	sadd.s32 $0xF42C00, s3;
	s2 =	sor.u32 s0, s2;
	s7 =	smul.u32 $0x6400, s0  }
0xa: {  	s6 =	ssub.s32 $0x2, s0;
	s4 =	smul.u32 $0x6400, s2;
	s2 =	simm.s32 $0x0  }
0xb: {  	s0 =	smul.u32 $0x32000, s0;
	s9 =	sshrl.u32 s6, $0x1;
	[smem:$0x7FF] =	sst s2  }
0xc: {  	s6 =	ssub.s32 s6, s9;
	s5 =	sadd.s32 s7, s5;
	s4 =	sshrl.u32 s4, $0x3  }
0xd: {  	_ =	strace $0x80000047;
	s29 =	sshll.u32 s5, $0x3;
	s1 =	sadd.s32 s1, s4  }
0xe: {  	s31 =	smax.u32 s6, $0x1;
	[dreg:$0x4] =	wrdreg s1;
	s1 =	sadd.s32 s29, s8  }
0xf: {  	[dreg:$0x5] =	wrdreg s31;
	s8 =	sadd.s32 s30, s8;
	s6 =	sadd.s32 $0x1400, s1  }
0x10: {  	s7 =	sadd.s32 $0xA00, s1;
	s8 =	sadd.s32 s0, s8;
	s0 =	sadd.s32 $0x1E00, s1  }
.LBB2_1:
0x11: {  	s1 =	rddreg [dreg:$0x4];
	s23 =	simm.s32 $0x9  }
0x12: {  	[tilespmem:s2], [sflag:$0x9] =	stream.linear.gather [hbm4b:s1+s2], $0x6400, $0x38;
	[tilespmem:$0x1A400] =	vst v63  }
0x13: {  	_ =	swait.ge [sflag:s23], $0x6400  }
0x14: {  	[sflag:s23] =	ssyncset.done $0x0  }
0x15: {  	[sflag:s23] =	ssyncadd.s32 $0xFFFF9C00  }
0x16: {  	[tilespmem:s12], [sflag:$0x1] =	stream.indirect.gather [hbm4b:s3+s11], $0x40, s2, s11, $0xb8;
	[tilespmem:$0x1A400] =	vst v63  }
0x17: {  	p0 =	por $0x1, $0x1  }
0x18: {  	[tilespmem:s13], [sflag:$0x2] =	stream.indirect.gather [hbm4b:s3+s11], $0x40, s11, s11, $0xb8;
	[tilespmem:$0x1A400] =	vst v63  }
0x19: {  	s26 =	simm.s32 $0x280;
	s1 =	simm.s32 @!p0 $0x8  }
0x1a: {  	[tilespmem:s15], [sflag:$0x3] =	stream.indirect.gather [hbm4b:s3+s11], $0x40, s26, s11, $0xb8;
	[tilespmem:$0x1A400] =	vst v63  }
0x1b: {  	_ =	swait.ge @!p0 [sflag:s1], $0x5000  }
0x1c: {  	[sflag:s1] =	ssyncset.done @!p0 $0x0  }
0x1d: {  	s9 =	simm.s32 $0x3C0;
	[sflag:s1] =	ssyncadd.s32 @!p0 $0xFFFFB000  }
0x1e: {  	[tilespmem:s16], [sflag:$0x4] =	stream.indirect.gather [hbm4b:s3+s11], $0x40, s9, s11, $0xb8;
	[tilespmem:$0x1A400] =	vst v63  }
0x1f: {  	_ =	swait.ge [sflag:s17], $0x5000  }
0x20: {  	p0 =	por $0x0, $0x0;
	[sflag:s17] =	ssyncset.done $0x0  }
0x21: {  	s1 =	simm.s32 @!p0 $0x5;
	[sflag:s17] =	ssyncadd.s32 $0xFFFFB000  }
0x22: {  	[hbm4b:s8+s2] =	stream.linear.scatter [tilespmem:s12], [sflag:$0x5], $0x5000, $0x38;
	[tilespmem:$0x1A400] =	vst v63  }
0x23: {  	_ =	swait.ge @!p0 [sflag:s1], $0x5000  }
0x24: {  	s9 =	simm.s32 @!p0 $0x500;
	[sflag:s1] =	ssyncset.done @!p0 $0x0  }
0x25: {  	s26 =	simm.s32 @!p0 $0x140;
	s28 =	simm.s32 @!p0 $0x6400;
	[sflag:s1] =	ssyncadd.s32 @!p0 $0xFFFFB000  }
0x26: {  	[tilespmem:s28], [sflag:$0x1] =	stream.indirect.gather @!p0 [hbm4b:s3+s26], $0x40, s9, s26, $0xb8;
	[tilespmem:$0x1A400] =	vst v63  }
0x27: {  	_ =	swait.ge [sflag:s18], $0x5000  }
0x28: {  	[sflag:s18] =	ssyncset.done $0x0  }
0x29: {  	s1 =	simm.s32 @!p0 $0x6;
	[sflag:s18] =	ssyncadd.s32 $0xFFFFB000  }
0x2a: {  	[hbm4b:s7+s2] =	stream.linear.scatter [tilespmem:s13], [sflag:$0x6], $0x5000, $0x38;
	[tilespmem:$0x1A400] =	vst v63  }
0x2b: {  	_ =	swait.ge @!p0 [sflag:s1], $0x5000  }
0x2c: {  	[sflag:s1] =	ssyncset.done @!p0 $0x0  }
0x2d: {  	s9 =	simm.s32 @!p0 $0x640;
	s28 =	simm.s32 @!p0 $0xB400;
	[sflag:s1] =	ssyncadd.s32 @!p0 $0xFFFFB000  }
0x2e: {  	[tilespmem:s28], [sflag:$0x2] =	stream.indirect.gather @!p0 [hbm4b:s3+s26], $0x40, s9, s26, $0xb8;
	[tilespmem:$0x1A400] =	vst v63  }
0x2f: {  	_ =	swait.ge [sflag:s19], $0x5000  }
0x30: {  	[sflag:s19] =	ssyncset.done $0x0  }
0x31: {  	s9 =	simm.s32 @!p0 $0x7;
	[sflag:s19] =	ssyncadd.s32 $0xFFFFB000  }
0x32: {  	[hbm4b:s6+s2] =	stream.linear.scatter [tilespmem:s15], [sflag:$0x7], $0x5000, $0x38;
	[tilespmem:$0x1A400] =	vst v63  }
0x33: {  	s31 =	simm.s32 $0x1400;
	_ =	swait.ge @!p0 [sflag:s9], $0x5000  }
0x34: {  	s30 =	sadd.s32 $0x2800, s8;
	p1 =	por $0x0, $0x0;
	[sflag:s9] =	ssyncset.done @!p0 $0x0  }
0x35: {  	s29 =	simm.s32 @!p0 $0x10400;
	s28 =	simm.s32 @!p0 $0x780;
	[sflag:s9] =	ssyncadd.s32 @!p0 $0xFFFFB000  }
0x36: {  	[tilespmem:s29], [sflag:$0x3] =	stream.indirect.gather @!p0 [hbm4b:s3+s26], $0x40, s28, s26, $0xb8;
	[tilespmem:$0x1A400] =	vst v63  }
0x37: {  	s1 =	simm.s32 $0x2800;
	s9 =	smov.u32 s0;
	s26 =	sadd.s32 $0x2800, s0  }
0x38: {  	s29 =	sadd.s32 $0x2800, s7;
	s28 =	sadd.s32 $0x2800, s6;
	_ =	swait.ge [sflag:s20], $0x5000  }
.LBB2_2:
0x39: {  	s14 =	simm.s32 @!p1 $0x8  }
0x3a: {  	[sflag:s20] =	ssyncset.done $0x0;
	s4 =	smov.u32 s1;
	s1 =	sadd.s32 $0x1400, s1  }
0x3b: {  	p0 =	sne.s32 s1, $0x19000;
	[sflag:s20] =	ssyncadd.s32 $0xFFFFB000  }
0x3c: {  	[hbm4b:s9+s2] =	stream.linear.scatter [tilespmem:s16], [sflag:$0x8], $0x5000, $0x38;
	[tilespmem:$0x1A400] =	vst v63  }
0x3d: {  	s5 =	sshra.s32 s31, $0x2;
	s9 =	smov.u32 s26;
	_ =	swait.ge @!p1 [sflag:s14], $0x5000  }
0x3e: {  	s5 =	sadd.s32 $0x3C0, s5;
	[sflag:s14] =	ssyncset.done @!p1 $0x0  }
0x3f: {  	[sflag:s14] =	ssyncadd.s32 @!p1 $0xFFFFB000  }
0x40: {  	[tilespmem:s16], [sflag:$0x4] =	stream.indirect.gather [hbm4b:s3+s11], $0x40, s5, s11, $0xb8;
	[tilespmem:$0x1A400] =	vst v63  }
0x41: {  	_ =	swait.ge [sflag:s17], $0x5000  }
0x42: {  	p1 =	seq.s32 s31, $0x17C00;
	[sflag:s17] =	ssyncset.done $0x0  }
0x43: {  	s5 =	simm.s32 @!p1 $0x5;
	s14 =	sshra.s32 @!p1 s31, $0x2;
	[sflag:s17] =	ssyncadd.s32 $0xFFFFB000  }
0x44: {  	[hbm4b:s30+s2] =	stream.linear.scatter [tilespmem:s12], [sflag:$0x5], $0x5000, $0x38;
	[tilespmem:$0x1A400] =	vst v63  }
0x45: {  	s10 =	sadd.s32 @!p1 $0x500, s14;
	s21 =	sadd.s32 @!p1 $0x640, s14;
	_ =	swait.ge @!p1 [sflag:s5], $0x5000  }
0x46: {  	s22 =	simm.s32 @!p1 $0x140;
	s23 =	simm.s32 @!p1 $0x6400;
	[sflag:s5] =	ssyncset.done @!p1 $0x0  }
0x47: {  	s31 =	smov.u32 s4;
	[sflag:s5] =	ssyncadd.s32 @!p1 $0xFFFFB000;
	s5 =	sadd.s32 @!p1 $0x780, s14  }
0x48: {  	[tilespmem:s23], [sflag:$0x1] =	stream.indirect.gather @!p1 [hbm4b:s3+s22], $0x40, s10, s22, $0xb8;
	[tilespmem:$0x1A400] =	vst v63  }
0x49: {  	_ =	swait.ge [sflag:s18], $0x5000  }
0x4a: {  	[sflag:s18] =	ssyncset.done $0x0  }
0x4b: {  	s4 =	simm.s32 @!p1 $0x6;
	[sflag:s18] =	ssyncadd.s32 $0xFFFFB000  }
0x4c: {  	[hbm4b:s29+s2] =	stream.linear.scatter [tilespmem:s13], [sflag:$0x6], $0x5000, $0x38;
	[tilespmem:$0x1A400] =	vst v63  }
0x4d: {  	_ =	swait.ge @!p1 [sflag:s4], $0x5000  }
0x4e: {  	s10 =	simm.s32 @!p1 $0xB400;
	[sflag:s4] =	ssyncset.done @!p1 $0x0  }
0x4f: {  	[sflag:s4] =	ssyncadd.s32 @!p1 $0xFFFFB000  }
0x50: {  	[tilespmem:s10], [sflag:$0x2] =	stream.indirect.gather @!p1 [hbm4b:s3+s22], $0x40, s21, s22, $0xb8;
	[tilespmem:$0x1A400] =	vst v63  }
0x51: {  	_ =	swait.ge [sflag:s19], $0x5000  }
0x52: {  	[sflag:s19] =	ssyncset.done $0x0  }
0x53: {  	s4 =	simm.s32 @!p1 $0x7;
	[sflag:s19] =	ssyncadd.s32 $0xFFFFB000  }
0x54: {  	[hbm4b:s28+s2] =	stream.linear.scatter [tilespmem:s15], [sflag:$0x7], $0x5000, $0x38;
	[tilespmem:$0x1A400] =	vst v63  }
.Ltmp0:
0x55: {  	_ =	swait.ge @!p1 [sflag:s4], $0x5000;
	(pc) =	sbr.rel @p0 .LBB2_2-.Ltmp0, $4  }
0x56: {  	s26 =	sadd.s32 $0x2800, s26;
	s10 =	simm.s32 @!p1 $0x10400;
	[sflag:s4] =	ssyncset.done @!p1 $0x0  }
0x57: {  	s30 =	sadd.s32 $0x2800, s30;
	s29 =	sadd.s32 $0x2800, s29;
	[sflag:s4] =	ssyncadd.s32 @!p1 $0xFFFFB000  }
0x58: {  	[tilespmem:s10], [sflag:$0x3] =	stream.indirect.gather @!p1 [hbm4b:s3+s22], $0x40, s5, s22, $0xb8;
	[tilespmem:$0x1A400] =	vst v63  }
0x59: {  	s28 =	sadd.s32 $0x2800, s28;
	p1 =	seq.s32 s31, $0x0;
	_ =	swait.ge [sflag:s20], $0x5000  }
0x5a: {  	[sflag:s20] =	ssyncset.done $0x0  }
0x5b: {  	s1 =	simm.s32 @!p1 $0x8;
	[sflag:s20] =	ssyncadd.s32 $0xFFFFB000  }
0x5c: {  	[hbm4b:s9+s2] =	stream.linear.scatter [tilespmem:s16], [sflag:$0x8], $0x5000, $0x38;
	[tilespmem:$0x1A400] =	vst v63  }
0x5d: {  	_ =	swait.ge @!p1 [sflag:s1], $0x5000  }
0x5e: {  	s4 =	sshra.s32 s31, $0x2;
	[sflag:s1] =	ssyncset.done @!p1 $0x0  }
0x5f: {  	s4 =	sadd.s32 $0x3C0, s4;
	[sflag:s1] =	ssyncadd.s32 @!p1 $0xFFFFB000  }
0x60: {  	[tilespmem:s16], [sflag:$0x4] =	stream.indirect.gather [hbm4b:s3+s11], $0x40, s4, s11, $0xb8;
	[tilespmem:$0x1A400] =	vst v63  }
0x61: {  	_ =	swait.ge [sflag:s17], $0x5000  }
0x62: {  	p0 =	seq.s32 s31, $0x17C00;
	[sflag:s17] =	ssyncset.done $0x0  }
0x63: {  	s1 =	simm.s32 @!p0 $0x5;
	[sflag:s17] =	ssyncadd.s32 $0xFFFFB000  }
0x64: {  	[hbm4b:s30+s2] =	stream.linear.scatter [tilespmem:s12], [sflag:$0x5], $0x5000, $0x38;
	[tilespmem:$0x1A400] =	vst v63  }
0x65: {  	_ =	swait.ge @!p0 [sflag:s1], $0x5000  }
0x66: {  	s10 =	simm.s32 @!p0 $0x6400;
	s4 =	sshra.s32 @!p0 s31, $0x2;
	[sflag:s1] =	ssyncset.done @!p0 $0x0  }
0x67: {  	s9 =	simm.s32 @!p0 $0x140;
	s5 =	sadd.s32 @!p0 $0x500, s4;
	[sflag:s1] =	ssyncadd.s32 @!p0 $0xFFFFB000  }
0x68: {  	[tilespmem:s10], [sflag:$0x1] =	stream.indirect.gather @!p0 [hbm4b:s3+s9], $0x40, s5, s9, $0xb8;
	[tilespmem:$0x1A400] =	vst v63  }
0x69: {  	_ =	swait.ge [sflag:s18], $0x5000  }
0x6a: {  	[sflag:s18] =	ssyncset.done $0x0  }
0x6b: {  	s1 =	simm.s32 @!p0 $0x6;
	[sflag:s18] =	ssyncadd.s32 $0xFFFFB000  }
0x6c: {  	[hbm4b:s29+s2] =	stream.linear.scatter [tilespmem:s13], [sflag:$0x6], $0x5000, $0x38;
	[tilespmem:$0x1A400] =	vst v63  }
0x6d: {  	_ =	swait.ge @!p0 [sflag:s1], $0x5000  }
0x6e: {  	[sflag:s1] =	ssyncset.done @!p0 $0x0  }
0x6f: {  	s5 =	sadd.s32 @!p0 $0x640, s4;
	s10 =	simm.s32 @!p0 $0xB400;
	[sflag:s1] =	ssyncadd.s32 @!p0 $0xFFFFB000  }
0x70: {  	[tilespmem:s10], [sflag:$0x2] =	stream.indirect.gather @!p0 [hbm4b:s3+s9], $0x40, s5, s9, $0xb8;
	[tilespmem:$0x1A400] =	vst v63  }
0x71: {  	_ =	swait.ge [sflag:s19], $0x5000  }
0x72: {  	[sflag:s19] =	ssyncset.done $0x0  }
0x73: {  	s1 =	simm.s32 @!p0 $0x7;
	[sflag:s19] =	ssyncadd.s32 $0xFFFFB000  }
0x74: {  	[hbm4b:s28+s2] =	stream.linear.scatter [tilespmem:s15], [sflag:$0x7], $0x5000, $0x38;
	[tilespmem:$0x1A400] =	vst v63  }
0x75: {  	_ =	swait.ge @!p0 [sflag:s1], $0x5000  }
0x76: {  	[sflag:s1] =	ssyncset.done @!p0 $0x0  }
0x77: {  	s4 =	sadd.s32 @!p0 $0x780, s4;
	s5 =	simm.s32 @!p0 $0x10400;
	[sflag:s1] =	ssyncadd.s32 @!p0 $0xFFFFB000  }
0x78: {  	[tilespmem:s5], [sflag:$0x3] =	stream.indirect.gather @!p0 [hbm4b:s3+s9], $0x40, s4, s9, $0xb8;
	[tilespmem:$0x1A400] =	vst v63  }
0x79: {  	_ =	swait.ge [sflag:s20], $0x5000  }
0x7a: {  	[sflag:s20] =	ssyncset.done $0x0  }
0x7b: {  	s28 =	simm.s32 $0x5;
	[sflag:s20] =	ssyncadd.s32 $0xFFFFB000  }
0x7c: {  	[hbm4b:s26+s2] =	stream.linear.scatter [tilespmem:s16], [sflag:$0x8], $0x5000, $0x38;
	[tilespmem:$0x1A400] =	vst v63  }
0x7d: {  	_ =	swait.ge [sflag:s28], $0x5000  }
0x7e: {  	[sflag:s28] =	ssyncset.done $0x0  }
0x7f: {  	s29 =	simm.s32 $0x6;
	[sflag:s28] =	ssyncadd.s32 $0xFFFFB000  }
0x80: {  	_ =	swait.ge [sflag:s29], $0x5000  }
0x81: {  	[sflag:s29] =	ssyncset.done $0x0  }
0x82: {  	s30 =	simm.s32 $0x7;
	[sflag:s29] =	ssyncadd.s32 $0xFFFFB000  }
0x83: {  	_ =	swait.ge [sflag:s30], $0x5000  }
0x84: {  	[sflag:s30] =	ssyncset.done $0x0  }
0x85: {  	[sflag:s30] =	ssyncadd.s32 $0xFFFFB000  }
0x86: {  	_ =	swait.ge [sflag:s24], $0x5000  }
0x87: {  	s25 =	sadd.s32 $0x1, s25;
	s31 =	rddreg [dreg:$0x5]  }
0x88: {  	p0 =	sne.s32 s25, s31  }
.Ltmp1:
0x89: {  	_ = 	snop;
	(pc) =	sbr.rel @p0 .LBB2_1-.Ltmp1, $3  }
0x8a: {  	_ =	sdelay $0x1  }
0x8b: {  	[sflag:s24] =	ssyncset.done $0x0  }
0x8c: {  	[sflag:s24] =	ssyncadd.s32 $0xFFFFB000  }
0x8d: {  	_ =	sfence.sel $0x180000  }
0x8e: {  	[bflag:$0x0] =	sbarrier.arrive $0xFFFF  }
0x8f: {  	_ =	strace $0x90000047  }
0x90: {  	s0 =	stileid.u32;
	[bflag:$0x2] =	sbarrier.arrive $0xFFFF  }
0x91: {  	p0 =	sne.s32 s0, $0x0;
	s0 =	rddreg [dreg:$0x3]  }
0x92: {  	s0 =	sadd.s32 @!p0 $0x100000, s0  }
0x93: {  	[sflag:s0] =	ssyncadd.tile.s32 @!p0 $0x1;
	_ =	shalt  }
.Lfunc_end2:
_tile_overlayer_lowered:
.L_overlay_start_2:
0x94: {  	(tag) =	ssettag $0x2  }
0x95: {  	s0 =	rddreg [dreg:$0x0];
	s2 =	stileid.u32  }
0x96: {  	s1 =	rddreg [dreg:$0x1];
	p0 =	sne.s32 s2, $0x0  }
0x97: {  	s3 =	rddreg [dreg:$0x2];
	[bflag:$0x3] =	sbarrier.arrive $0xFFFF;
	s2 =	simm.s32 @!p0 $0x1C09  }
0x98: {  	[timem:s3], [sflag:s2] =	dma.local @!p0 [hbm:s0], s1  }
0x99: {  	s0 =	simm.s32 @!p0 $0x9  }
0x9a: {  	_ =	swait.ge @!p0 [sflag:s0], s1  }
0x9b: {  	s1 =	ssub.s32 @!p0 $0x0, s1;
	[sflag:s0] =	ssyncset.done @!p0 $0x0  }
0x9c: {  	[sflag:s0] =	ssyncadd.s32 @!p0 s1  }
0x9d: {  	[bflag:$0x3] =	sbarrier.arrive $0xFFFF  }
0x9e: {  	_ =	shalt  }

// kernel: sparse-core-data-format-call.cloned.1.call-start
scs
called_computation_lowered:
.L_overlay_start_0:
0x0: {  	s2 =	sld [smem:$0x3FD9]  }
0x1: {  	s3 =	sld [smem:$0x3FFE];
	_ =	sdelay $0x1  }
0x2: {  	s1 =	srdreg.scid  }
0x3: {  	s0 =	sand.u32 $0x1, s1  }
0x4: {  	s18 =	sshll.u32 s0, $0xA;
	s2 =	sadd.s32 s3, s2  }
0x5: {  	s2 =	sadd.s32 s2, s18  }
0x6: {  	[smem:$0x3FC6] =	sst s2  }
0x7: {  	_ = 	snop  }
0x8: {  	s2 =	sld [smem:$0x3FD0];
	(tm) =	ssettm $0x1  }
0x9: {  	s19 =	sld [smem:$0x3FFB];
	_ =	sdelay $0x3  }
0xa: {  	_ =	strace s19  }
0xb: {  	s3 =	sld [smem:$0x3FFC];
	_ =	sdelay $0x3  }
0xc: {  	_ =	strace s3  }
0xd: {  	s3 =	sld [smem:$0x3FFD];
	_ =	sdelay $0x3  }
0xe: {  	_ =	strace s3  }
0xf: {  	_ =	strace $0x8FFFFFFF  }
0x10: {  	s20 =	sld [smem:$0x3FDB];
	_ =	sdelay $0x1  }
0x11: {  	s4 =	simm.s32 $_scs_section_size  }
0x12: {  	s5 =	simm.s32 $_size__tile_overlayer_lowered;
	s6 =	simm.s32 $_tile_overlayer_lowered  }
0x13: {  	s23 =	simm.s32 $0x1BFF;
	s22 =	sshll.u32 s6, $0x1;
	s3 =	sadd.s32 s4, s20  }
0x14: {  	s7 =	simm.s32 $0x0;
	s21 =	sshll.u32 s5, $0x1;
	s5 =	sadd.s32 s22, s3  }
0x15: {  	[timem:s7], [sflag:s23] =	dma.local [hbm:s5], s21  }
0x16: {  	_ =	swait.ge [sflag:s23], s21  }
0x17: {  	s4 =	ssub.s32 $0x0, s21;
	[sflag:s23] =	ssyncset.done $0x0  }
0x18: {  	[sflag:s23] =	ssyncadd.s32 s4;
	_ =	sdelay $0x1  }
0x19: {  	s24 =	simm.s32 $0x1B8B  }
0x1a: {  	_ =	swait.ge [sflag:s24], $0x1  }
0x1b: {  	[sflag:s24] =	ssyncset.done $0x0  }
0x1c: {  	s26 =	simm.s32 $0x1B8E;
	s25 =	sld [smem:$0x3FFE];
	[sflag:s24] =	ssyncadd.s32 $0xFFFFFFFF  }
0x1d: {  	s27 =	simm.s32 $execute0_lowered;
	[smem:$0x3FD2] =	sst s26  }
0x1e: {  	s5 =	sshll.u32 s27, $0x1;
	_ =	strace $0x80000049;
	[dreg:$0x1] =	wrdreg $0xFFFFFFFF  }
0x1f: {  	s28 =	simm.s32 $_size_execute0_lowered;
	s3 =	sadd.s32 s3, s5;
	[dreg:$0x0] =	wrdreg $0x0  }
0x20: {  	s5 =	sshll.u32 s28, $0x1;
	[dreg:$0x2] =	wrdreg s3  }
0x21: {  	[dreg:$0x3] =	wrdreg s5  }
0x22: {  	[dreg:$0x4] =	wrdreg $0xC0  }
0x23: {  	_ =	task [dreg:s7], $0x5FFFF  }
0x24: {  	[dreg:$0x1] =	wrdreg $0xFFFFFFFF  }
0x25: {  	[dreg:$0x0] =	wrdreg $0x60  }
0x26: {  	[dreg:$0x2] =	wrdreg s25  }
0x27: {  	[dreg:$0x3] =	wrdreg s2  }
0x28: {  	[dreg:$0x4] =	wrdreg $0x9  }
0x29: {  	_ =	task.clear_ibuf [dreg:s7], $0x5FFFF;
	_ =	strace $0x90000049  }
0x2a: {  	s29 =	simm.s32 $0x9;
	_ =	strace $0x8000004B  }
0x2b: {  	_ =	swait.ge [sflag:s29], $0x1  }
0x2c: {  	[sflag:s29] =	ssyncadd.s32 $0xFFFFFFFF  }
0x2d: {  	_ =	strace $0x9000004B  }
0x2e: {  	_ =	sfence  }
0x2f: {  	s30 =	sld [smem:$0x0];
	_ =	sdelay $0x2  }
0x30: {  	s31 =	sshll.u32 s1, $0xD;
	s1 =	sshrl.u32 s1, $0x2  }
0x31: {  	s3 =	sand.u32 $0x4000, s31;
	s1 =	sadd.s32 s1, s30  }
0x32: {  	s0 =	sor.u32 s3, s0;
	s1 =	sshll.u32 s1, $0x11  }
0x33: {  	s0 =	sor.u32 s1, s0  }
0x34: {  	s0 =	sadd.s32 $0x8F2B, s0  }
0x35: {  	[sflag:s0] =	ssyncadd.remote.s32 $0x1  }
0x36: {  	_ =	sfence.sel $0xFFFF  }
0x37: {  	[dreg:$0x0] =	wrdreg $0xFFFFFFFF;
	(pc) =	sbr.abs _section_cstart, $3  }
0x38: {  	[dreg:$0x1] =	wrdreg $0xFFFFFFFF  }
0x39: {  	_ =	task.clear_ibuf [dreg:s7], $0x2FFFF;
	_ =	strace $0x9FFFFFFF  }
0x3a: {  	(tm) =	ssettm $0x7FFFFFFF  }
0x3b: {  	_ =	shalt  }
tec
execute0_lowered:
.L_overlay_start_1:
0x0: {  	(tag) =	ssettag $0x1  }
0x1: {  	s0 =	srdreg.scid  }
0x2: {  	s1 =	sshll.u32 s0, $0x4  }
0x3: {  	s4 =	rddreg [dreg:$0x0];
	s0 =	stileid.u32;
	s1 =	sand.u32 $0x10, s1  }
0x4: {  	s2 =	rddreg [dreg:$0x1];
	s7 =	simm.s32 $0x1;
	s1 =	sor.u32 s0, s1  }
0x5: {  	s8 =	simm.s32 $0x2;
	s11 =	simm.s32 $0x0;
	s3 =	sshll.u32 s1, $0x7  }
0x6: {  	s10 =	simm.s32 $0x0;
	s4 =	sadd.s32 $0x800, s4;
	s6 =	ssub.s32 $0xC8000, s3  }
.Ltmp0:
0x7: {  	s1 =	rddreg [dreg:$0x2];
	s5 =	sand.u32 $0xF80, s6;
	(pc) =	sbr.rel .LBB1_1-.Ltmp0, $4  }
0x8: {  	_ =	strace $0x8000004A;
	s9 =	smov.u32 s3;
	p0 =	sne.s32 s5, $0x0  }
0x9: {  	s6 =	sshrl.u32 s6, $0xC;
	s5 =	simm.s32 $0x1;
	s7 =	simm.s32 @!p0 $0x0  }
0xa: {  	[sflag:s5] =	ssyncpa.u1 $0x0;
	p0 =	por $0x0, $0x0;
	s6 =	sadd.s32 s7, s6  }
0xb: {  	[sflag:s8] =	ssyncpa.u1 $0x0;
	s8 =	simm.s32 $0x640000;
	s7 =	sadd.s32 $0x1, s6  }
.LBB1_4:
0xc: {  	s14 =	sshll.u32 s11, $0x3  }
0xd: {  	s30 =	sand.u32 $0x7F, s11;
	s15 =	sand.u32 $0xFFFFFC00, s14  }
0xe: {  	s11 =	sor.u32 s30, s15  }
0xf: {  	s15 =	smulhi.u32 $0x51EB851F, s11  }
0x10: {  	s14 =	smulhi.u32 $0x51EB851F, s14  }
0x11: {  	s15 =	sshrl.u32 s15, $0x12  }
0x12: {  	s14 =	sshrl.u32 s14, $0x12;
	s15 =	smul.u32 $0xC8000, s15  }
0x13: {  	s14 =	sand.u32 $0x3F, s14  }
0x14: {  	s14 =	smul.u32 $0x19000, s14;
	s11 =	ssub.s32 s11, s15  }
0x15: {  	[tilespmem:s13+$0x810 ss:$0x81] =	vst.msk $0xffff, v2;
	s15 =	sand.u32 $0x7, s11  }
0x16: {  	[tilespmem:s13+$0x1020 ss:$0x81] =	vst.msk $0xffff, v0;
	s14 =	sadd.s32 s2, s14;
	s11 =	sshrl.u32 s11, $0x3;
	s15 =	sshll.u32 s15, $0x12  }
0x17: {  	[tilespmem:s13+$0x0 ss:$0x81] =	vst.msk $0xffff, v1;
	s11 =	sadd.s32 s11, s14;
	s31 =	sor.u32 $0x400, s15  }
0x18: {  	[hbm4b:s11+s31] =	stream.strided.scatter [tilespmem:s12], [sflag:$0x2], $0x2000, s8, s31, $0x20;
	[tilespmem:$0x8080] =	vst v63  }
.LBB1_5:
0x19: {  	s13 =	sadd.s32 $0x1000, s9  }
0x1a: {  	p2 =	sgt.s32 s13, $0xC7FFF  }
0x1b: {  	s13 =	smov.u32 @p2 s3;
	p2 =	sne.s32 s10, s7  }
.Ltmp1:
0x1c: {  	p1 =	slt.u32 s10, $0x2;
	(pc) =	sbr.rel @!p2 .LBB1_6-.Ltmp1, $4  }
0x1d: {  	s12 =	simm.s32 @!p1 $0x2  }
0x1e: {  	s14 =	sadd.s32 $0x1, s10;
	_ =	swait.ge @!p1 [sflag:s12], $0x2000  }
0x1f: {  	s11 =	smov.u32 s9;
	p0 =	por !p0, !p0;
	[sflag:s12] =	ssyncset.done @!p1 $0x0  }
0x20: {  	s10 =	smov.u32 s14;
	s9 =	smov.u32 s13;
	[sflag:s12] =	ssyncadd.s32 @!p1 $0xFFFFE000  }
.LBB1_1:
0x21: {  	p1 =	sge.u32 s10, s6  }
0x22: {  	s12 =	sand.u32 @!p1 $0x1FFFFFF, s9  }
0x23: {  	s13 =	smulhi.u32 @!p1 $0x147AE15, s12;
	_ =	sdelay $0x1  }
0x24: {  	s13 =	sshrl.u32 @!p1 s13, $0xC  }
0x25: {  	s13 =	smul.u32 @!p1 $0xC8000, s13;
	_ =	sdelay $0x1  }
0x26: {  	s31 =	sadd.s32 $0xFFFFFFFF, s10;
	s14 =	sxor.u32 @!p1 $0xFFFFFFFF, s10;
	s12 =	ssub.s32 @!p1 s12, s13  }
0x27: {  	s15 =	simm.s32 @!p1 $0x80;
	s14 =	sshll.u32 @!p1 s14, $0xD;
	s12 =	sshll.u32 @!p1 s12, $0x4  }
0x28: {  	s13 =	sand.u32 @!p1 $0x2000, s14;
	s14 =	simm.s32 @!p1 $0x40;
	s12 =	sadd.s32 @!p1 s4, s12  }
0x29: {  	[tilespmem:s13], [sflag:$0x1] =	stream.strided.gather @!p1 [hbm4b:s12+s14], $0x2000, s15, s14, $0x38;
	[tilespmem:$0x8080] =	vst v63  }
0x2a: {  	p1 =	sge.u32 s31, s6  }
.Ltmp2:
0x2b: {  	_ = 	snop;
	(pc) =	sbr.rel @p1 .LBB1_5-.Ltmp2, $1  }
0x2c: {  	_ =	sdelay $0x3  }
0x2d: {  	s12 =	simm.s32 $0x1  }
0x2e: {  	_ =	swait.ge [sflag:s5], $0x2000;
	s12 =	simm.s32 @!p0 $0x0  }
0x2f: {  	[sflag:s5] =	ssyncset.done $0x0;
	s13 =	sshll.u32 s12, $0xD  }
0x30: {  	[sflag:s5] =	ssyncadd.s32 $0xFFFFE000;
	s16 =	sor.u32 $0x20, s13  }
0x31: {  	s12 =	smul.u32 $0x8100, s12;
	v3 =	vld [tilespmem:s16+$0x10]  }
0x32: {  	s30 =	sand.u32 $0x1, s10;
	v2 =	vld [tilespmem:s16+$0xFFFFFFF0]  }
0x33: {  	s13 =	smul.u32 $0x8100, s30;
	s12 =	sshrl.u32 s12, $0x2;
	v0 =	vld [tilespmem:s16+$0x0]  }
0x34: {  	v1 =	vld [tilespmem:s16+$0xFFFFFFE0];
	s14 =	sor.u32 $0x4000, s12  }
0x35: {  	s31 =	sshrl.u32 s13, $0x2;
	s13 =	sadd.s32 $0x0, s14  }
0x36: {  	s15 =	simm.s32 $0x4;
	s16 =	sadd.s32 $0x40, s16;
	s12 =	sor.u32 $0x4000, s31;
	[tilespmem:s13+$0x1830 ss:$0x81] =	vst.msk $0xffff, v3  }
.LBB1_3:
0x37: {  	v3 =	vld [tilespmem:s16+$0x10];
	p1 =	sne.s32 s15, $0x1FC;
	[tilespmem:s13+$0x810 ss:$0x81] =	vst.msk $0xffff, v2;
	s17 =	smov.u32 s15;
	s15 =	sadd.s32 $0x4, s15  }
.Ltmp3:
0x38: {  	v2 =	vld [tilespmem:s16+$0xFFFFFFF0];
	[tilespmem:s13+$0x1020 ss:$0x81] =	vst.msk $0xffff, v0;
	(pc) =	sbr.rel @p1 .LBB1_3-.Ltmp3, $4  }
0x39: {  	v0 =	vld [tilespmem:s16+$0x0];
	[tilespmem:s13+$0x0 ss:$0x81] =	vst.msk $0xffff, v1  }
0x3a: {  	s13 =	sshra.s32 s17, $0x2;
	v1 =	vld [tilespmem:s16+$0xFFFFFFE0]  }
0x3b: {  	s13 =	sadd.s32 s13, s14  }
0x3c: {  	s16 =	sadd.s32 $0x40, s16;
	[tilespmem:s13+$0x1830 ss:$0x81] =	vst.msk $0xffff, v3  }
.Ltmp4:
0x3d: {  	_ = 	snop;
	(pc) =	sbr.rel .LBB1_4-.Ltmp4, $1  }
0x3e: {  	_ =	sdelay $0x3  }
.LBB1_6:
0x3f: {  	_ =	sfence.sel $0x180000  }
0x40: {  	s2 =	simm.s32 $0x1;
	[bflag:$0x0] =	sbarrier.arrive $0xFFFF  }
0x41: {  	s31 =	simm.s32 $0x2;
	[sflag:s2] =	ssyncpa.u1 $0x1  }
0x42: {  	[sflag:s31] =	ssyncpa.u1 $0x1  }
0x43: {  	p0 =	sne.s32 s0, $0x0;
	_ =	strace $0x9000004A  }
0x44: {  	s0 =	sadd.s32 @!p0 $0x100000, s1;
	[bflag:$0x2] =	sbarrier.arrive $0xFFFF  }
0x45: {  	[sflag:s0] =	ssyncadd.tile.s32 @!p0 $0x1;
	_ =	shalt  }
.Lfunc_end1:
_tile_overlayer_lowered:
.L_overlay_start_2:
0x46: {  	(tag) =	ssettag $0x2  }
0x47: {  	s0 =	rddreg [dreg:$0x0];
	s2 =	stileid.u32  }
0x48: {  	s1 =	rddreg [dreg:$0x1];
	p0 =	sne.s32 s2, $0x0  }
0x49: {  	s3 =	rddreg [dreg:$0x2];
	[bflag:$0x3] =	sbarrier.arrive $0xFFFF;
	s2 =	simm.s32 @!p0 $0x1C01  }
0x4a: {  	[timem:s3], [sflag:s2] =	dma.local @!p0 [hbm:s0], s1  }
0x4b: {  	s0 =	simm.s32 @!p0 $0x1  }
0x4c: {  	_ =	swait.ge @!p0 [sflag:s0], s1  }
0x4d: {  	s1 =	ssub.s32 @!p0 $0x0, s1;
	[sflag:s0] =	ssyncset.done @!p0 $0x0  }
0x4e: {  	[sflag:s0] =	ssyncadd.s32 @!p0 s1  }
0x4f: {  	[bflag:$0x3] =	sbarrier.arrive $0xFFFF  }
0x50: {  	_ =	shalt  }

</sc_bundles>
